<compile_context>
chip_gen: v7x
topology: tpu7x:2x2x1
jax: 0.10.2.dev20260603
libtpu: 0.0.44.dev20260713+nightly
codegen_flags: <defaults>
</compile_context>

<pallas_src>
import dataclasses
import functools

import jax
import jax.numpy as jnp
from jax.experimental import pallas as pl
from jax.experimental.pallas import tpu as pltpu
from jax.experimental.pallas import tpu_sc as plsc

B, D, H, C, E, EH, EO, T = 8192, 2048, 512, 256, 16, 256, 128, 3
TILE = 1024
_NW = 32
_TPW = B // _NW
_L = 16


def _gelu(v):
    return 0.5 * v * (1.0 + jax.lax.erf(v * (2.0 ** -0.5)))



def _proj_gate_kernel(x_ref, task_ref, w1_ref, b1_ref, lng_ref, lnb_ref,
                      w2_ref, b2_ref, gw1z_ref, gw1t_ref, gb1_ref, gw2_ref,
                      gb2_ref, z_ref, gl_ref, glt_ref, gp_ref, load_ref):
    h = _gelu(jnp.dot(x_ref[...], w1_ref[...]) + b1_ref[...])
    mu = jnp.mean(h, axis=-1, keepdims=True)
    hc = h - mu
    var = jnp.mean(hc * hc, axis=-1, keepdims=True)
    hn = hc * jax.lax.rsqrt(var + 1e-5) * lng_ref[...] + lnb_ref[...]
    z = jnp.dot(hn, w2_ref[...]) + b2_ref[...]
    z_ref[...] = z

    g1 = _gelu(jnp.dot(z, gw1z_ref[...]) + jnp.dot(task_ref[...], gw1t_ref[...])
               + gb1_ref[...])
    gl = jnp.dot(g1, gw2_ref[...]) + gb2_ref[...]
    gl_ref[...] = gl
    glt_ref[...] = gl.T

    m = jnp.max(gl, axis=-1, keepdims=True)
    eg = jnp.exp(gl - m)
    gp = eg / jnp.sum(eg, axis=-1, keepdims=True)
    gp_ref[...] = gp
    load_ref[...] = jnp.sum(gp, axis=0, keepdims=True)[None]



def _route_kernel(glt_hbm, ti1_hbm, ti2_hbm, tw1_hbm, tw2_hbm,
                  gltv, ti1v, ti2v, tw1v, tw2v, sem):
    wid = jax.lax.axis_index("s") * 2 + jax.lax.axis_index("c")
    base = wid * _TPW
    pltpu.async_copy(glt_hbm.at[:, pl.ds(base, _TPW)], gltv, sem).wait()
    fmin = jnp.float32(-3.4e38)

    @pl.loop(0, _TPW // _L)
    def _(g):
        sl = pl.ds(g * _L, _L)
        vs = [gltv[e, sl] for e in range(E)]
        m1 = vs[0]
        for e in range(1, E):
            m1 = jnp.maximum(m1, vs[e])
        i1 = jnp.full((_L,), E, jnp.int32)
        for e in range(E - 1, -1, -1):
            i1 = jnp.where(vs[e] == m1, e, i1)
        m2 = jnp.full((_L,), fmin, jnp.float32)
        for e in range(E):
            m2 = jnp.maximum(m2, jnp.where(i1 == e, fmin, vs[e]))
        i2 = jnp.full((_L,), E, jnp.int32)
        for e in range(E - 1, -1, -1):
            i2 = jnp.where((vs[e] == m2) & (i1 != e), e, i2)
        e2 = jnp.exp(m2 - m1)
        w1 = 1.0 / (1.0 + e2)
        w2 = e2 * w1
        ti1v[sl] = i1
        ti2v[sl] = i2
        tw1v[sl] = w1
        tw2v[sl] = w2

    pltpu.async_copy(ti1v, ti1_hbm.at[pl.ds(base, _TPW)], sem).wait()
    pltpu.async_copy(ti2v, ti2_hbm.at[pl.ds(base, _TPW)], sem).wait()
    pltpu.async_copy(tw1v, tw1_hbm.at[pl.ds(base, _TPW)], sem).wait()
    pltpu.async_copy(tw2v, tw2_hbm.at[pl.ds(base, _TPW)], sem).wait()


def _route(glt):
    mesh = plsc.VectorSubcoreMesh(core_axis_name="c", subcore_axis_name="s")
    cp = pltpu.CompilerParams()
    if "needs_layout_passes" in pltpu.CompilerParams.__dataclass_fields__:
        cp = dataclasses.replace(cp, needs_layout_passes=False)
    k = pl.kernel(
        _route_kernel,
        out_type=(
            jax.ShapeDtypeStruct((B,), jnp.int32),
            jax.ShapeDtypeStruct((B,), jnp.int32),
            jax.ShapeDtypeStruct((B,), jnp.float32),
            jax.ShapeDtypeStruct((B,), jnp.float32),
        ),
        mesh=mesh,
        scratch_types=[
            pltpu.VMEM((E, _TPW), jnp.float32),
            pltpu.VMEM((_TPW,), jnp.int32),
            pltpu.VMEM((_TPW,), jnp.int32),
            pltpu.VMEM((_TPW,), jnp.float32),
            pltpu.VMEM((_TPW,), jnp.float32),
            pltpu.SemaphoreType.DMA,
        ],
        compiler_params=cp,
    )
    return k(glt)



def _expert_kernel(z_ref, ti_ref, tw_ref, ew1_ref, eb1_ref, ew2_ref, eb2_ref,
                   out_ref, eo_ref):
    z = z_ref[...]
    zb = z.astype(jnp.bfloat16)
    iota = jax.lax.broadcasted_iota(jnp.int32, (TILE, E), 1)
    comb = (jnp.where(iota == ti_ref[:, 0:1], tw_ref[:, 0:1], 0.0)
            + jnp.where(iota == ti_ref[:, 1:2], tw_ref[:, 1:2], 0.0))
    acc = jnp.zeros((TILE, EO), jnp.float32)
    for e in range(E):
        ehf = (jnp.dot(zb, ew1_ref[e], preferred_element_type=jnp.float32)
               + eb1_ref[:, e * EH:(e + 1) * EH])
        ehb = _gelu(ehf.astype(jnp.bfloat16))
        eo = (jnp.dot(ehb, ew2_ref[e], preferred_element_type=jnp.float32)
              + eb2_ref[:, e * EO:(e + 1) * EO])
        eo_ref[:, e, :] = eo
        acc += comb[:, e:e + 1] * eo
    out_ref[...] = acc


@functools.partial(jax.jit, static_argnums=())
def kernel(x, task_id, proj_w1, proj_b1, ln_g, ln_b, proj_w2, proj_b2,
           exp_w1, exp_b1, exp_w2, exp_b2, gate_w1, gate_b1, gate_w2, gate_b2):
    nsteps = B // TILE
    ew1b = exp_w1.astype(jnp.bfloat16)
    ew2b = exp_w2.astype(jnp.bfloat16)
    eb1 = exp_b1.reshape(1, E * EH)
    eb2 = exp_b2.reshape(1, E * EO)
    gw1z = gate_w1[:C]
    gw1t = gate_w1[C:]

    full = lambda shape: pl.BlockSpec(shape, lambda i: tuple(0 for _ in shape))
    row = lambda shape: pl.BlockSpec(shape, lambda i: (i,) + (0,) * (len(shape) - 1))

    z, gl, glt, gp, load_sums = pl.pallas_call(
        _proj_gate_kernel,
        grid=(nsteps,),
        in_specs=[
            row((TILE, D)), row((TILE, T)), full((D, H)), full((1, H)),
            full((1, H)), full((1, H)), full((H, C)), full((1, C)),
            full((C, 2 * E)), full((T, 2 * E)), full((1, 2 * E)),
            full((2 * E, E)), full((1, E)),
        ],
        out_specs=(
            row((TILE, C)), row((TILE, E)),
            pl.BlockSpec((E, TILE), lambda i: (0, i)),
            row((TILE, E)), row((1, 1, E)),
        ),
        out_shape=(
            jax.ShapeDtypeStruct((B, C), jnp.float32),
            jax.ShapeDtypeStruct((B, E), jnp.float32),
            jax.ShapeDtypeStruct((E, B), jnp.float32),
            jax.ShapeDtypeStruct((B, E), jnp.float32),
            jax.ShapeDtypeStruct((nsteps, 1, E), jnp.float32),
        ),
        compiler_params=pltpu.CompilerParams(
            dimension_semantics=("parallel",),
        ),
    )(x, task_id, proj_w1, proj_b1.reshape(1, H), ln_g.reshape(1, H),
      ln_b.reshape(1, H), proj_w2, proj_b2.reshape(1, C), gw1z, gw1t,
      gate_b1.reshape(1, 2 * E), gate_w2, gate_b2.reshape(1, E))

    ti1, ti2, tw1, tw2 = _route(glt)
    ti = jnp.stack([ti1, ti2], axis=1)
    tw = jnp.stack([tw1, tw2], axis=1)

    out, eo = pl.pallas_call(
        _expert_kernel,
        grid=(nsteps,),
        in_specs=[
            row((TILE, C)), row((TILE, 2)), row((TILE, 2)), full((E, C, EH)),
            full((1, E * EH)), full((E, EH, EO)), full((1, E * EO)),
        ],
        out_specs=(
            row((TILE, EO)), row((TILE, E, EO)),
        ),
        out_shape=(
            jax.ShapeDtypeStruct((B, EO), jnp.float32),
            jax.ShapeDtypeStruct((B, E, EO), jnp.float32),
        ),
        compiler_params=pltpu.CompilerParams(
            dimension_semantics=("parallel",),
        ),
    )(z, ti, tw, ew1b, eb1, ew2b, eb2)

    load = jnp.sum(load_sums, axis=(0, 1)) / B
    lbl = 0.01 * (jnp.var(load, ddof=1) * E)
    return (out, z, gl, gp, lbl, eo, ti, tw)

# --- scband reference (transcript-rebuilt; emitter-appended) ---
"""Pipeline reference for scband-sparse-mo-etrunk-29575144801163 (READ-ONLY COPY).

The authoritative reference and input builder live on the scoring server;
editing this copy changes nothing except your own understanding.
"""

import jax, jax.numpy as jnp
import numpy as np


def _kaiming(key, shape, fan_in):
    return jax.random.normal(key, shape, dtype=jnp.float32) * np.sqrt(2.0 / fan_in)


def setup_inputs(seed: int = 0) -> dict:
    key = jax.random.key(seed)
    ks = jax.random.split(key, 8)
    B, D, H, C, E, EH, EO, T = 8192, 2048, 512, 256, 16, 256, 128, 3
    x = jax.random.normal(ks[0], (B, D), dtype=jnp.float32)
    task_id = jax.random.uniform(ks[1], (B, T), dtype=jnp.float32)
    return {
        'x': x, 'task_id': task_id,
        'proj_w1': _kaiming(ks[2], (D, H), D), 'proj_b1': jnp.zeros((H,), jnp.float32),
        'ln_g': jnp.ones((H,), jnp.float32), 'ln_b': jnp.zeros((H,), jnp.float32),
        'proj_w2': _kaiming(ks[3], (H, C), H), 'proj_b2': jnp.zeros((C,), jnp.float32),
        'exp_w1': _kaiming(ks[4], (E, C, EH), C), 'exp_b1': jnp.zeros((E, EH), jnp.float32),
        'exp_w2': _kaiming(ks[5], (E, EH, EO), EH), 'exp_b2': jnp.zeros((E, EO), jnp.float32),
        'gate_w1': _kaiming(ks[6], (C + T, 2 * E), C + T), 'gate_b1': jnp.zeros((2 * E,), jnp.float32),
        'gate_w2': _kaiming(ks[7], (2 * E, E), 2 * E), 'gate_b2': jnp.zeros((E,), jnp.float32),
    }


def reference(x, task_id, proj_w1, proj_b1, ln_g, ln_b, proj_w2, proj_b2,
              exp_w1, exp_b1, exp_w2, exp_b2, gate_w1, gate_b1, gate_w2, gate_b2):
    top_k = 2
    n_experts = 16
    load_balance_weight = 0.01
    # LearnableProjection: Linear -> GELU -> LayerNorm -> Linear
    h = jax.nn.gelu(x @ proj_w1 + proj_b1, approximate=False)
    mu = jnp.mean(h, axis=-1, keepdims=True)
    var = jnp.var(h, axis=-1, keepdims=True)
    hn = (h - mu) / jnp.sqrt(var + 1e-5) * ln_g + ln_b
    z = hn @ proj_w2 + proj_b2
    # All experts run densely: Linear -> GELU -> Linear, batched over E
    eh = jax.nn.gelu(jnp.einsum('bc,ech->beh', z, exp_w1) + exp_b1[None], approximate=False)
    expert_outs = jnp.einsum('beh,eho->beo', eh, exp_w2) + exp_b2[None]
    # Gating conditioned on (z, task_id)
    gi = jnp.concatenate([z, task_id], axis=-1)
    g1 = jax.nn.gelu(gi @ gate_w1 + gate_b1, approximate=False)
    gate_logits = g1 @ gate_w2 + gate_b2
    topk_logits, topk_idx = jax.lax.top_k(gate_logits, top_k)
    topk_weights = jax.nn.softmax(topk_logits, axis=-1)
    selected = jnp.take_along_axis(expert_outs, topk_idx[:, :, None], axis=1)
    output = jnp.sum(selected * topk_weights[:, :, None], axis=1)
    gate_probs = jax.nn.softmax(gate_logits, axis=-1)
    load = jnp.mean(gate_probs, axis=0)
    load_balance_loss = load_balance_weight * (jnp.var(load, ddof=1) * n_experts)
    return (output, z, gate_logits, gate_probs, load_balance_loss, expert_outs, topk_idx, topk_weights)

if __name__ == "__main__":
    import jax
    _d = setup_inputs()
    print(jax.jit(kernel)(*tuple(_d.values())))

</pallas_src>

<mosaic_0001>
#map = affine_map<(d0, d1) -> (0, 0)>
#map1 = affine_map<(d0, d1) -> (0)>
module attributes {stable_mosaic.version = 14 : i64} {
  func.func @_route_kernel(%arg0: i32, %arg1: i32, %arg2: memref<16x8192xf32, #tpu.memory_space<hbm>>, %arg3: memref<8192xi32, #tpu.memory_space<hbm>>, %arg4: memref<8192xi32, #tpu.memory_space<hbm>>, %arg5: memref<8192xf32, #tpu.memory_space<hbm>>, %arg6: memref<8192xf32, #tpu.memory_space<hbm>>, %arg7: memref<16x256xf32, #tpu.memory_space<vmem>>, %arg8: memref<256xi32, #tpu.memory_space<vmem>>, %arg9: memref<256xi32, #tpu.memory_space<vmem>>, %arg10: memref<256xf32, #tpu.memory_space<vmem>>, %arg11: memref<256xf32, #tpu.memory_space<vmem>>, %arg12: memref<!tpu.dma_semaphore, #tpu.memory_space<semaphore_mem>>) attributes {dimension_semantics = [#tpu.dimension_semantics<core_parallel>, #tpu.dimension_semantics<subcore_parallel>], iteration_bounds = array<i64: 2, 16>, scalar_prefetch = 0 : i64, scratch_operands = 6 : i64, tpu.core_type = #tpu.core_type<sc_vector_subcore>, window_params = [{transform_indices = #map}, {transform_indices = #map1}, {transform_indices = #map1}, {transform_indices = #map1}, {transform_indices = #map1}]} {
    %mul3A = arith.constant 2 : i32
    %mul3A_0 = arith.muli %arg1, %mul3A : i32
    %add3A = arith.addi %mul3A_0, %arg0 : i32
    %mul3A_1 = arith.constant 256 : i32
    %mul3A_2 = arith.muli %add3A, %mul3A_1 : i32
    %dma_start3A = arith.constant 0 : i32
    %dma_start3A_3 = tpu.memref_slice %arg2[%dma_start3A, %mul3A_2] : memref<16x8192xf32, #tpu.memory_space<hbm>> -> memref<16x256xf32, #tpu.memory_space<hbm>>
    %dma_start3A_4 = arith.constant 0 : i32
    %dma_start3A_5 = tpu.memref_slice %arg2[%dma_start3A_4, %mul3A_2] : memref<16x8192xf32, #tpu.memory_space<hbm>> -> memref<16x256xf32, #tpu.memory_space<hbm>>
    tpu.enqueue_dma source(%dma_start3A_5 : memref<16x256xf32, #tpu.memory_space<hbm>>) target(%arg7 : memref<16x256xf32, #tpu.memory_space<vmem>>) target_semaphore(%arg12 : memref<!tpu.dma_semaphore, #tpu.memory_space<semaphore_mem>>)
    %dma_wait3A = arith.constant 0 : i32
    %dma_wait3A_6 = tpu.memref_slice %arg2[%dma_wait3A, %mul3A_2] : memref<16x8192xf32, #tpu.memory_space<hbm>> -> memref<16x256xf32, #tpu.memory_space<hbm>>
    %dma_wait3A_7 = arith.constant 0 : i32
    %dma_wait3A_8 = tpu.memref_slice %arg2[%dma_wait3A_7, %mul3A_2] : memref<16x8192xf32, #tpu.memory_space<hbm>> -> memref<16x256xf32, #tpu.memory_space<hbm>>
    tpu.wait_dma2 semaphore(%arg12 : memref<!tpu.dma_semaphore, #tpu.memory_space<semaphore_mem>>) src(%dma_wait3A_8 : memref<16x256xf32, #tpu.memory_space<hbm>>) dst(%arg7 : memref<16x256xf32, #tpu.memory_space<vmem>>)
    %scan3A = arith.constant -3.400000e+38 : f32
    %scan3A_9 = arith.constant 0 : i32
    %scan3A_10 = arith.constant 16 : i32
    %scan3A_11 = arith.addi %scan3A_9, %scan3A_10 : i32
    %scan3A_12 = arith.constant 1 : i32
    scf.for %scan3A_30 = %scan3A_9 to %scan3A_11 step %scan3A_12  : i32 {
      %mul3A_31 = arith.constant 1 : i32
      %mul3A_32 = arith.muli %scan3A_30, %mul3A_31 : i32
      %add3A_33 = arith.constant 0 : i32
      %add3A_34 = arith.addi %add3A_33, %mul3A_32 : i32
      %mul3A_35 = arith.constant 16 : i32
      %mul3A_36 = arith.muli %add3A_34, %mul3A_35 : i32
      %get3A = arith.constant 0 : i32
      %get3A_37 = arith.index_cast %get3A : i32 to index
      %get3A_38 = arith.index_cast %mul3A_36 : i32 to index
      %get3A_39 = tpu.vector_load %arg7[%get3A_37, %get3A_38] {strides = array<i32>} : memref<16x256xf32, #tpu.memory_space<vmem>>, vector<16xf32>,
      %get3A_40 = arith.constant 1 : i32
      %get3A_41 = arith.index_cast %get3A_40 : i32 to index
      %get3A_42 = arith.index_cast %mul3A_36 : i32 to index
      %get3A_43 = tpu.vector_load %arg7[%get3A_41, %get3A_42] {strides = array<i32>} : memref<16x256xf32, #tpu.memory_space<vmem>>, vector<16xf32>,
      %get3A_44 = arith.constant 2 : i32
      %get3A_45 = arith.index_cast %get3A_44 : i32 to index
      %get3A_46 = arith.index_cast %mul3A_36 : i32 to index
      %get3A_47 = tpu.vector_load %arg7[%get3A_45, %get3A_46] {strides = array<i32>} : memref<16x256xf32, #tpu.memory_space<vmem>>, vector<16xf32>,
      %get3A_48 = arith.constant 3 : i32
      %get3A_49 = arith.index_cast %get3A_48 : i32 to index
      %get3A_50 = arith.index_cast %mul3A_36 : i32 to index
      %get3A_51 = tpu.vector_load %arg7[%get3A_49, %get3A_50] {strides = array<i32>} : memref<16x256xf32, #tpu.memory_space<vmem>>, vector<16xf32>,
      %get3A_52 = arith.constant 4 : i32
      %get3A_53 = arith.index_cast %get3A_52 : i32 to index
      %get3A_54 = arith.index_cast %mul3A_36 : i32 to index
      %get3A_55 = tpu.vector_load %arg7[%get3A_53, %get3A_54] {strides = array<i32>} : memref<16x256xf32, #tpu.memory_space<vmem>>, vector<16xf32>,
      %get3A_56 = arith.constant 5 : i32
      %get3A_57 = arith.index_cast %get3A_56 : i32 to index
      %get3A_58 = arith.index_cast %mul3A_36 : i32 to index
      %get3A_59 = tpu.vector_load %arg7[%get3A_57, %get3A_58] {strides = array<i32>} : memref<16x256xf32, #tpu.memory_space<vmem>>, vector<16xf32>,
      %get3A_60 = arith.constant 6 : i32
      %get3A_61 = arith.index_cast %get3A_60 : i32 to index
      %get3A_62 = arith.index_cast %mul3A_36 : i32 to index
      %get3A_63 = tpu.vector_load %arg7[%get3A_61, %get3A_62] {strides = array<i32>} : memref<16x256xf32, #tpu.memory_space<vmem>>, vector<16xf32>,
      %get3A_64 = arith.constant 7 : i32
      %get3A_65 = arith.index_cast %get3A_64 : i32 to index
      %get3A_66 = arith.index_cast %mul3A_36 : i32 to index
      %get3A_67 = tpu.vector_load %arg7[%get3A_65, %get3A_66] {strides = array<i32>} : memref<16x256xf32, #tpu.memory_space<vmem>>, vector<16xf32>,
      %get3A_68 = arith.constant 8 : i32
      %get3A_69 = arith.index_cast %get3A_68 : i32 to index
      %get3A_70 = arith.index_cast %mul3A_36 : i32 to index
      %get3A_71 = tpu.vector_load %arg7[%get3A_69, %get3A_70] {strides = array<i32>} : memref<16x256xf32, #tpu.memory_space<vmem>>, vector<16xf32>,
      %get3A_72 = arith.constant 9 : i32
      %get3A_73 = arith.index_cast %get3A_72 : i32 to index
      %get3A_74 = arith.index_cast %mul3A_36 : i32 to index
      %get3A_75 = tpu.vector_load %arg7[%get3A_73, %get3A_74] {strides = array<i32>} : memref<16x256xf32, #tpu.memory_space<vmem>>, vector<16xf32>,
      %get3A_76 = arith.constant 10 : i32
      %get3A_77 = arith.index_cast %get3A_76 : i32 to index
      %get3A_78 = arith.index_cast %mul3A_36 : i32 to index
      %get3A_79 = tpu.vector_load %arg7[%get3A_77, %get3A_78] {strides = array<i32>} : memref<16x256xf32, #tpu.memory_space<vmem>>, vector<16xf32>,
      %get3A_80 = arith.constant 11 : i32
      %get3A_81 = arith.index_cast %get3A_80 : i32 to index
      %get3A_82 = arith.index_cast %mul3A_36 : i32 to index
      %get3A_83 = tpu.vector_load %arg7[%get3A_81, %get3A_82] {strides = array<i32>} : memref<16x256xf32, #tpu.memory_space<vmem>>, vector<16xf32>,
      %get3A_84 = arith.constant 12 : i32
      %get3A_85 = arith.index_cast %get3A_84 : i32 to index
      %get3A_86 = arith.index_cast %mul3A_36 : i32 to index
      %get3A_87 = tpu.vector_load %arg7[%get3A_85, %get3A_86] {strides = array<i32>} : memref<16x256xf32, #tpu.memory_space<vmem>>, vector<16xf32>,
      %get3A_88 = arith.constant 13 : i32
      %get3A_89 = arith.index_cast %get3A_88 : i32 to index
      %get3A_90 = arith.index_cast %mul3A_36 : i32 to index
      %get3A_91 = tpu.vector_load %arg7[%get3A_89, %get3A_90] {strides = array<i32>} : memref<16x256xf32, #tpu.memory_space<vmem>>, vector<16xf32>,
      %get3A_92 = arith.constant 14 : i32
      %get3A_93 = arith.index_cast %get3A_92 : i32 to index
      %get3A_94 = arith.index_cast %mul3A_36 : i32 to index
      %get3A_95 = tpu.vector_load %arg7[%get3A_93, %get3A_94] {strides = array<i32>} : memref<16x256xf32, #tpu.memory_space<vmem>>, vector<16xf32>,
      %get3A_96 = arith.constant 15 : i32
      %get3A_97 = arith.index_cast %get3A_96 : i32 to index
      %get3A_98 = arith.index_cast %mul3A_36 : i32 to index
      %get3A_99 = tpu.vector_load %arg7[%get3A_97, %get3A_98] {strides = array<i32>} : memref<16x256xf32, #tpu.memory_space<vmem>>, vector<16xf32>,
      %max3A = arith.maximumf %get3A_39, %get3A_43 : vector<16xf32>
      %max3A_100 = arith.maximumf %max3A, %get3A_47 : vector<16xf32>
      %max3A_101 = arith.maximumf %max3A_100, %get3A_51 : vector<16xf32>
      %max3A_102 = arith.maximumf %max3A_101, %get3A_55 : vector<16xf32>
      %max3A_103 = arith.maximumf %max3A_102, %get3A_59 : vector<16xf32>
      %max3A_104 = arith.maximumf %max3A_103, %get3A_63 : vector<16xf32>
      %max3A_105 = arith.maximumf %max3A_104, %get3A_67 : vector<16xf32>
      %max3A_106 = arith.maximumf %max3A_105, %get3A_71 : vector<16xf32>
      %max3A_107 = arith.maximumf %max3A_106, %get3A_75 : vector<16xf32>
      %max3A_108 = arith.maximumf %max3A_107, %get3A_79 : vector<16xf32>
      %max3A_109 = arith.maximumf %max3A_108, %get3A_83 : vector<16xf32>
      %max3A_110 = arith.maximumf %max3A_109, %get3A_87 : vector<16xf32>
      %max3A_111 = arith.maximumf %max3A_110, %get3A_91 : vector<16xf32>
      %max3A_112 = arith.maximumf %max3A_111, %get3A_95 : vector<16xf32>
      %max3A_113 = arith.maximumf %max3A_112, %get3A_99 : vector<16xf32>
      %broadcast_in_dim3A = arith.constant 16 : i32
      %broadcast_in_dim3A_114 = vector.broadcast %broadcast_in_dim3A : i32 to vector<16xi32>
      %eq3A = arith.cmpf oeq, %get3A_99, %max3A_113 : vector<16xf32>
      %jit3A = arith.constant 15 : i32
      %broadcast_in_dim3A_115 = vector.broadcast %jit3A : i32 to vector<16xi32>
      %select_n3A = arith.select %eq3A, %broadcast_in_dim3A_115, %broadcast_in_dim3A_114 : vector<16xi1>, vector<16xi32>
      %eq3A_116 = arith.cmpf oeq, %get3A_95, %max3A_113 : vector<16xf32>
      %jit3A_117 = arith.constant 14 : i32
      %broadcast_in_dim3A_118 = vector.broadcast %jit3A_117 : i32 to vector<16xi32>
      %select_n3A_119 = arith.select %eq3A_116, %broadcast_in_dim3A_118, %select_n3A : vector<16xi1>, vector<16xi32>
      %eq3A_120 = arith.cmpf oeq, %get3A_91, %max3A_113 : vector<16xf32>
      %jit3A_121 = arith.constant 13 : i32
      %broadcast_in_dim3A_122 = vector.broadcast %jit3A_121 : i32 to vector<16xi32>
      %select_n3A_123 = arith.select %eq3A_120, %broadcast_in_dim3A_122, %select_n3A_119 : vector<16xi1>, vector<16xi32>
      %eq3A_124 = arith.cmpf oeq, %get3A_87, %max3A_113 : vector<16xf32>
      %jit3A_125 = arith.constant 12 : i32
      %broadcast_in_dim3A_126 = vector.broadcast %jit3A_125 : i32 to vector<16xi32>
      %select_n3A_127 = arith.select %eq3A_124, %broadcast_in_dim3A_126, %select_n3A_123 : vector<16xi1>, vector<16xi32>
      %eq3A_128 = arith.cmpf oeq, %get3A_83, %max3A_113 : vector<16xf32>
      %jit3A_129 = arith.constant 11 : i32
      %broadcast_in_dim3A_130 = vector.broadcast %jit3A_129 : i32 to vector<16xi32>
      %select_n3A_131 = arith.select %eq3A_128, %broadcast_in_dim3A_130, %select_n3A_127 : vector<16xi1>, vector<16xi32>
      %eq3A_132 = arith.cmpf oeq, %get3A_79, %max3A_113 : vector<16xf32>
      %jit3A_133 = arith.constant 10 : i32
      %broadcast_in_dim3A_134 = vector.broadcast %jit3A_133 : i32 to vector<16xi32>
      %select_n3A_135 = arith.select %eq3A_132, %broadcast_in_dim3A_134, %select_n3A_131 : vector<16xi1>, vector<16xi32>
      %eq3A_136 = arith.cmpf oeq, %get3A_75, %max3A_113 : vector<16xf32>
      %jit3A_137 = arith.constant 9 : i32
      %broadcast_in_dim3A_138 = vector.broadcast %jit3A_137 : i32 to vector<16xi32>
      %select_n3A_139 = arith.select %eq3A_136, %broadcast_in_dim3A_138, %select_n3A_135 : vector<16xi1>, vector<16xi32>
      %eq3A_140 = arith.cmpf oeq, %get3A_71, %max3A_113 : vector<16xf32>
      %jit3A_141 = arith.constant 8 : i32
      %broadcast_in_dim3A_142 = vector.broadcast %jit3A_141 : i32 to vector<16xi32>
      %select_n3A_143 = arith.select %eq3A_140, %broadcast_in_dim3A_142, %select_n3A_139 : vector<16xi1>, vector<16xi32>
      %eq3A_144 = arith.cmpf oeq, %get3A_67, %max3A_113 : vector<16xf32>
      %jit3A_145 = arith.constant 7 : i32
      %broadcast_in_dim3A_146 = vector.broadcast %jit3A_145 : i32 to vector<16xi32>
      %select_n3A_147 = arith.select %eq3A_144, %broadcast_in_dim3A_146, %select_n3A_143 : vector<16xi1>, vector<16xi32>
      %eq3A_148 = arith.cmpf oeq, %get3A_63, %max3A_113 : vector<16xf32>
      %jit3A_149 = arith.constant 6 : i32
      %broadcast_in_dim3A_150 = vector.broadcast %jit3A_149 : i32 to vector<16xi32>
      %select_n3A_151 = arith.select %eq3A_148, %broadcast_in_dim3A_150, %select_n3A_147 : vector<16xi1>, vector<16xi32>
      %eq3A_152 = arith.cmpf oeq, %get3A_59, %max3A_113 : vector<16xf32>
      %jit3A_153 = arith.constant 5 : i32
      %broadcast_in_dim3A_154 = vector.broadcast %jit3A_153 : i32 to vector<16xi32>
      %select_n3A_155 = arith.select %eq3A_152, %broadcast_in_dim3A_154, %select_n3A_151 : vector<16xi1>, vector<16xi32>
      %eq3A_156 = arith.cmpf oeq, %get3A_55, %max3A_113 : vector<16xf32>
      %jit3A_157 = arith.constant 4 : i32
      %broadcast_in_dim3A_158 = vector.broadcast %jit3A_157 : i32 to vector<16xi32>
      %select_n3A_159 = arith.select %eq3A_156, %broadcast_in_dim3A_158, %select_n3A_155 : vector<16xi1>, vector<16xi32>
      %eq3A_160 = arith.cmpf oeq, %get3A_51, %max3A_113 : vector<16xf32>
      %jit3A_161 = arith.constant 3 : i32
      %broadcast_in_dim3A_162 = vector.broadcast %jit3A_161 : i32 to vector<16xi32>
      %select_n3A_163 = arith.select %eq3A_160, %broadcast_in_dim3A_162, %select_n3A_159 : vector<16xi1>, vector<16xi32>
      %eq3A_164 = arith.cmpf oeq, %get3A_47, %max3A_113 : vector<16xf32>
      %jit3A_165 = arith.constant 2 : i32
      %broadcast_in_dim3A_166 = vector.broadcast %jit3A_165 : i32 to vector<16xi32>
      %select_n3A_167 = arith.select %eq3A_164, %broadcast_in_dim3A_166, %select_n3A_163 : vector<16xi1>, vector<16xi32>
      %eq3A_168 = arith.cmpf oeq, %get3A_43, %max3A_113 : vector<16xf32>
      %jit3A_169 = arith.constant 1 : i32
      %broadcast_in_dim3A_170 = vector.broadcast %jit3A_169 : i32 to vector<16xi32>
      %select_n3A_171 = arith.select %eq3A_168, %broadcast_in_dim3A_170, %select_n3A_167 : vector<16xi1>, vector<16xi32>
      %eq3A_172 = arith.cmpf oeq, %get3A_39, %max3A_113 : vector<16xf32>
      %jit3A_173 = arith.constant 0 : i32
      %broadcast_in_dim3A_174 = vector.broadcast %jit3A_173 : i32 to vector<16xi32>
      %select_n3A_175 = arith.select %eq3A_172, %broadcast_in_dim3A_174, %select_n3A_171 : vector<16xi1>, vector<16xi32>
      %broadcast_in_dim3A_176 = vector.broadcast %scan3A : f32 to vector<16xf32>
      %eq3A_177 = arith.constant 0 : i32
      %eq3A_178 = vector.broadcast %eq3A_177 : i32 to vector<16xi32>
      %eq3A_179 = arith.cmpi eq, %select_n3A_175, %eq3A_178 : vector<16xi32>
      %broadcast_in_dim3A_180 = vector.broadcast %scan3A : f32 to vector<16xf32>
      %select_n3A_181 = arith.select %eq3A_179, %broadcast_in_dim3A_180, %get3A_39 : vector<16xi1>, vector<16xf32>
      %max3A_182 = arith.maximumf %broadcast_in_dim3A_176, %select_n3A_181 : vector<16xf32>
      %eq3A_183 = arith.constant 1 : i32
      %eq3A_184 = vector.broadcast %eq3A_183 : i32 to vector<16xi32>
      %eq3A_185 = arith.cmpi eq, %select_n3A_175, %eq3A_184 : vector<16xi32>
      %broadcast_in_dim3A_186 = vector.broadcast %scan3A : f32 to vector<16xf32>
      %select_n3A_187 = arith.select %eq3A_185, %broadcast_in_dim3A_186, %get3A_43 : vector<16xi1>, vector<16xf32>
      %max3A_188 = arith.maximumf %max3A_182, %select_n3A_187 : vector<16xf32>
      %eq3A_189 = arith.constant 2 : i32
      %eq3A_190 = vector.broadcast %eq3A_189 : i32 to vector<16xi32>
      %eq3A_191 = arith.cmpi eq, %select_n3A_175, %eq3A_190 : vector<16xi32>
      %broadcast_in_dim3A_192 = vector.broadcast %scan3A : f32 to vector<16xf32>
      %select_n3A_193 = arith.select %eq3A_191, %broadcast_in_dim3A_192, %get3A_47 : vector<16xi1>, vector<16xf32>
      %max3A_194 = arith.maximumf %max3A_188, %select_n3A_193 : vector<16xf32>
      %eq3A_195 = arith.constant 3 : i32
      %eq3A_196 = vector.broadcast %eq3A_195 : i32 to vector<16xi32>
      %eq3A_197 = arith.cmpi eq, %select_n3A_175, %eq3A_196 : vector<16xi32>
      %broadcast_in_dim3A_198 = vector.broadcast %scan3A : f32 to vector<16xf32>
      %select_n3A_199 = arith.select %eq3A_197, %broadcast_in_dim3A_198, %get3A_51 : vector<16xi1>, vector<16xf32>
      %max3A_200 = arith.maximumf %max3A_194, %select_n3A_199 : vector<16xf32>
      %eq3A_201 = arith.constant 4 : i32
      %eq3A_202 = vector.broadcast %eq3A_201 : i32 to vector<16xi32>
      %eq3A_203 = arith.cmpi eq, %select_n3A_175, %eq3A_202 : vector<16xi32>
      %broadcast_in_dim3A_204 = vector.broadcast %scan3A : f32 to vector<16xf32>
      %select_n3A_205 = arith.select %eq3A_203, %broadcast_in_dim3A_204, %get3A_55 : vector<16xi1>, vector<16xf32>
      %max3A_206 = arith.maximumf %max3A_200, %select_n3A_205 : vector<16xf32>
      %eq3A_207 = arith.constant 5 : i32
      %eq3A_208 = vector.broadcast %eq3A_207 : i32 to vector<16xi32>
      %eq3A_209 = arith.cmpi eq, %select_n3A_175, %eq3A_208 : vector<16xi32>
      %broadcast_in_dim3A_210 = vector.broadcast %scan3A : f32 to vector<16xf32>
      %select_n3A_211 = arith.select %eq3A_209, %broadcast_in_dim3A_210, %get3A_59 : vector<16xi1>, vector<16xf32>
      %max3A_212 = arith.maximumf %max3A_206, %select_n3A_211 : vector<16xf32>
      %eq3A_213 = arith.constant 6 : i32
      %eq3A_214 = vector.broadcast %eq3A_213 : i32 to vector<16xi32>
      %eq3A_215 = arith.cmpi eq, %select_n3A_175, %eq3A_214 : vector<16xi32>
      %broadcast_in_dim3A_216 = vector.broadcast %scan3A : f32 to vector<16xf32>
      %select_n3A_217 = arith.select %eq3A_215, %broadcast_in_dim3A_216, %get3A_63 : vector<16xi1>, vector<16xf32>
      %max3A_218 = arith.maximumf %max3A_212, %select_n3A_217 : vector<16xf32>
      %eq3A_219 = arith.constant 7 : i32
      %eq3A_220 = vector.broadcast %eq3A_219 : i32 to vector<16xi32>
      %eq3A_221 = arith.cmpi eq, %select_n3A_175, %eq3A_220 : vector<16xi32>
      %broadcast_in_dim3A_222 = vector.broadcast %scan3A : f32 to vector<16xf32>
      %select_n3A_223 = arith.select %eq3A_221, %broadcast_in_dim3A_222, %get3A_67 : vector<16xi1>, vector<16xf32>
      %max3A_224 = arith.maximumf %max3A_218, %select_n3A_223 : vector<16xf32>
      %eq3A_225 = arith.constant 8 : i32
      %eq3A_226 = vector.broadcast %eq3A_225 : i32 to vector<16xi32>
      %eq3A_227 = arith.cmpi eq, %select_n3A_175, %eq3A_226 : vector<16xi32>
      %broadcast_in_dim3A_228 = vector.broadcast %scan3A : f32 to vector<16xf32>
      %select_n3A_229 = arith.select %eq3A_227, %broadcast_in_dim3A_228, %get3A_71 : vector<16xi1>, vector<16xf32>
      %max3A_230 = arith.maximumf %max3A_224, %select_n3A_229 : vector<16xf32>
      %eq3A_231 = arith.constant 9 : i32
      %eq3A_232 = vector.broadcast %eq3A_231 : i32 to vector<16xi32>
      %eq3A_233 = arith.cmpi eq, %select_n3A_175, %eq3A_232 : vector<16xi32>
      %broadcast_in_dim3A_234 = vector.broadcast %scan3A : f32 to vector<16xf32>
      %select_n3A_235 = arith.select %eq3A_233, %broadcast_in_dim3A_234, %get3A_75 : vector<16xi1>, vector<16xf32>
      %max3A_236 = arith.maximumf %max3A_230, %select_n3A_235 : vector<16xf32>
      %eq3A_237 = arith.constant 10 : i32
      %eq3A_238 = vector.broadcast %eq3A_237 : i32 to vector<16xi32>
      %eq3A_239 = arith.cmpi eq, %select_n3A_175, %eq3A_238 : vector<16xi32>
      %broadcast_in_dim3A_240 = vector.broadcast %scan3A : f32 to vector<16xf32>
      %select_n3A_241 = arith.select %eq3A_239, %broadcast_in_dim3A_240, %get3A_79 : vector<16xi1>, vector<16xf32>
      %max3A_242 = arith.maximumf %max3A_236, %select_n3A_241 : vector<16xf32>
      %eq3A_243 = arith.constant 11 : i32
      %eq3A_244 = vector.broadcast %eq3A_243 : i32 to vector<16xi32>
      %eq3A_245 = arith.cmpi eq, %select_n3A_175, %eq3A_244 : vector<16xi32>
      %broadcast_in_dim3A_246 = vector.broadcast %scan3A : f32 to vector<16xf32>
      %select_n3A_247 = arith.select %eq3A_245, %broadcast_in_dim3A_246, %get3A_83 : vector<16xi1>, vector<16xf32>
      %max3A_248 = arith.maximumf %max3A_242, %select_n3A_247 : vector<16xf32>
      %eq3A_249 = arith.constant 12 : i32
      %eq3A_250 = vector.broadcast %eq3A_249 : i32 to vector<16xi32>
      %eq3A_251 = arith.cmpi eq, %select_n3A_175, %eq3A_250 : vector<16xi32>
      %broadcast_in_dim3A_252 = vector.broadcast %scan3A : f32 to vector<16xf32>
      %select_n3A_253 = arith.select %eq3A_251, %broadcast_in_dim3A_252, %get3A_87 : vector<16xi1>, vector<16xf32>
      %max3A_254 = arith.maximumf %max3A_248, %select_n3A_253 : vector<16xf32>
      %eq3A_255 = arith.constant 13 : i32
      %eq3A_256 = vector.broadcast %eq3A_255 : i32 to vector<16xi32>
      %eq3A_257 = arith.cmpi eq, %select_n3A_175, %eq3A_256 : vector<16xi32>
      %broadcast_in_dim3A_258 = vector.broadcast %scan3A : f32 to vector<16xf32>
      %select_n3A_259 = arith.select %eq3A_257, %broadcast_in_dim3A_258, %get3A_91 : vector<16xi1>, vector<16xf32>
      %max3A_260 = arith.maximumf %max3A_254, %select_n3A_259 : vector<16xf32>
      %eq3A_261 = arith.constant 14 : i32
      %eq3A_262 = vector.broadcast %eq3A_261 : i32 to vector<16xi32>
      %eq3A_263 = arith.cmpi eq, %select_n3A_175, %eq3A_262 : vector<16xi32>
      %broadcast_in_dim3A_264 = vector.broadcast %scan3A : f32 to vector<16xf32>
      %select_n3A_265 = arith.select %eq3A_263, %broadcast_in_dim3A_264, %get3A_95 : vector<16xi1>, vector<16xf32>
      %max3A_266 = arith.maximumf %max3A_260, %select_n3A_265 : vector<16xf32>
      %eq3A_267 = arith.constant 15 : i32
      %eq3A_268 = vector.broadcast %eq3A_267 : i32 to vector<16xi32>
      %eq3A_269 = arith.cmpi eq, %select_n3A_175, %eq3A_268 : vector<16xi32>
      %broadcast_in_dim3A_270 = vector.broadcast %scan3A : f32 to vector<16xf32>
      %select_n3A_271 = arith.select %eq3A_269, %broadcast_in_dim3A_270, %get3A_99 : vector<16xi1>, vector<16xf32>
      %max3A_272 = arith.maximumf %max3A_266, %select_n3A_271 : vector<16xf32>
      %broadcast_in_dim3A_273 = arith.constant 16 : i32
      %broadcast_in_dim3A_274 = vector.broadcast %broadcast_in_dim3A_273 : i32 to vector<16xi32>
      %eq3A_275 = arith.cmpf oeq, %get3A_99, %max3A_272 : vector<16xf32>
      %ne3A = arith.constant 15 : i32
      %ne3A_276 = vector.broadcast %ne3A : i32 to vector<16xi32>
      %ne3A_277 = arith.cmpi ne, %select_n3A_175, %ne3A_276 : vector<16xi32>
      %and3A = arith.andi %eq3A_275, %ne3A_277 : vector<16xi1>
      %jit3A_278 = arith.constant 15 : i32
      %broadcast_in_dim3A_279 = vector.broadcast %jit3A_278 : i32 to vector<16xi32>
      %select_n3A_280 = arith.select %and3A, %broadcast_in_dim3A_279, %broadcast_in_dim3A_274 : vector<16xi1>, vector<16xi32>
      %eq3A_281 = arith.cmpf oeq, %get3A_95, %max3A_272 : vector<16xf32>
      %ne3A_282 = arith.constant 14 : i32
      %ne3A_283 = vector.broadcast %ne3A_282 : i32 to vector<16xi32>
      %ne3A_284 = arith.cmpi ne, %select_n3A_175, %ne3A_283 : vector<16xi32>
      %and3A_285 = arith.andi %eq3A_281, %ne3A_284 : vector<16xi1>
      %jit3A_286 = arith.constant 14 : i32
      %broadcast_in_dim3A_287 = vector.broadcast %jit3A_286 : i32 to vector<16xi32>
      %select_n3A_288 = arith.select %and3A_285, %broadcast_in_dim3A_287, %select_n3A_280 : vector<16xi1>, vector<16xi32>
      %eq3A_289 = arith.cmpf oeq, %get3A_91, %max3A_272 : vector<16xf32>
      %ne3A_290 = arith.constant 13 : i32
      %ne3A_291 = vector.broadcast %ne3A_290 : i32 to vector<16xi32>
      %ne3A_292 = arith.cmpi ne, %select_n3A_175, %ne3A_291 : vector<16xi32>
      %and3A_293 = arith.andi %eq3A_289, %ne3A_292 : vector<16xi1>
      %jit3A_294 = arith.constant 13 : i32
      %broadcast_in_dim3A_295 = vector.broadcast %jit3A_294 : i32 to vector<16xi32>
      %select_n3A_296 = arith.select %and3A_293, %broadcast_in_dim3A_295, %select_n3A_288 : vector<16xi1>, vector<16xi32>
      %eq3A_297 = arith.cmpf oeq, %get3A_87, %max3A_272 : vector<16xf32>
      %ne3A_298 = arith.constant 12 : i32
      %ne3A_299 = vector.broadcast %ne3A_298 : i32 to vector<16xi32>
      %ne3A_300 = arith.cmpi ne, %select_n3A_175, %ne3A_299 : vector<16xi32>
      %and3A_301 = arith.andi %eq3A_297, %ne3A_300 : vector<16xi1>
      %jit3A_302 = arith.constant 12 : i32
      %broadcast_in_dim3A_303 = vector.broadcast %jit3A_302 : i32 to vector<16xi32>
      %select_n3A_304 = arith.select %and3A_301, %broadcast_in_dim3A_303, %select_n3A_296 : vector<16xi1>, vector<16xi32>
      %eq3A_305 = arith.cmpf oeq, %get3A_83, %max3A_272 : vector<16xf32>
      %ne3A_306 = arith.constant 11 : i32
      %ne3A_307 = vector.broadcast %ne3A_306 : i32 to vector<16xi32>
      %ne3A_308 = arith.cmpi ne, %select_n3A_175, %ne3A_307 : vector<16xi32>
      %and3A_309 = arith.andi %eq3A_305, %ne3A_308 : vector<16xi1>
      %jit3A_310 = arith.constant 11 : i32
      %broadcast_in_dim3A_311 = vector.broadcast %jit3A_310 : i32 to vector<16xi32>
      %select_n3A_312 = arith.select %and3A_309, %broadcast_in_dim3A_311, %select_n3A_304 : vector<16xi1>, vector<16xi32>
      %eq3A_313 = arith.cmpf oeq, %get3A_79, %max3A_272 : vector<16xf32>
      %ne3A_314 = arith.constant 10 : i32
      %ne3A_315 = vector.broadcast %ne3A_314 : i32 to vector<16xi32>
      %ne3A_316 = arith.cmpi ne, %select_n3A_175, %ne3A_315 : vector<16xi32>
      %and3A_317 = arith.andi %eq3A_313, %ne3A_316 : vector<16xi1>
      %jit3A_318 = arith.constant 10 : i32
      %broadcast_in_dim3A_319 = vector.broadcast %jit3A_318 : i32 to vector<16xi32>
      %select_n3A_320 = arith.select %and3A_317, %broadcast_in_dim3A_319, %select_n3A_312 : vector<16xi1>, vector<16xi32>
      %eq3A_321 = arith.cmpf oeq, %get3A_75, %max3A_272 : vector<16xf32>
      %ne3A_322 = arith.constant 9 : i32
      %ne3A_323 = vector.broadcast %ne3A_322 : i32 to vector<16xi32>
      %ne3A_324 = arith.cmpi ne, %select_n3A_175, %ne3A_323 : vector<16xi32>
      %and3A_325 = arith.andi %eq3A_321, %ne3A_324 : vector<16xi1>
      %jit3A_326 = arith.constant 9 : i32
      %broadcast_in_dim3A_327 = vector.broadcast %jit3A_326 : i32 to vector<16xi32>
      %select_n3A_328 = arith.select %and3A_325, %broadcast_in_dim3A_327, %select_n3A_320 : vector<16xi1>, vector<16xi32>
      %eq3A_329 = arith.cmpf oeq, %get3A_71, %max3A_272 : vector<16xf32>
      %ne3A_330 = arith.constant 8 : i32
      %ne3A_331 = vector.broadcast %ne3A_330 : i32 to vector<16xi32>
      %ne3A_332 = arith.cmpi ne, %select_n3A_175, %ne3A_331 : vector<16xi32>
      %and3A_333 = arith.andi %eq3A_329, %ne3A_332 : vector<16xi1>
      %jit3A_334 = arith.constant 8 : i32
      %broadcast_in_dim3A_335 = vector.broadcast %jit3A_334 : i32 to vector<16xi32>
      %select_n3A_336 = arith.select %and3A_333, %broadcast_in_dim3A_335, %select_n3A_328 : vector<16xi1>, vector<16xi32>
      %eq3A_337 = arith.cmpf oeq, %get3A_67, %max3A_272 : vector<16xf32>
      %ne3A_338 = arith.constant 7 : i32
      %ne3A_339 = vector.broadcast %ne3A_338 : i32 to vector<16xi32>
      %ne3A_340 = arith.cmpi ne, %select_n3A_175, %ne3A_339 : vector<16xi32>
      %and3A_341 = arith.andi %eq3A_337, %ne3A_340 : vector<16xi1>
      %jit3A_342 = arith.constant 7 : i32
      %broadcast_in_dim3A_343 = vector.broadcast %jit3A_342 : i32 to vector<16xi32>
      %select_n3A_344 = arith.select %and3A_341, %broadcast_in_dim3A_343, %select_n3A_336 : vector<16xi1>, vector<16xi32>
      %eq3A_345 = arith.cmpf oeq, %get3A_63, %max3A_272 : vector<16xf32>
      %ne3A_346 = arith.constant 6 : i32
      %ne3A_347 = vector.broadcast %ne3A_346 : i32 to vector<16xi32>
      %ne3A_348 = arith.cmpi ne, %select_n3A_175, %ne3A_347 : vector<16xi32>
      %and3A_349 = arith.andi %eq3A_345, %ne3A_348 : vector<16xi1>
      %jit3A_350 = arith.constant 6 : i32
      %broadcast_in_dim3A_351 = vector.broadcast %jit3A_350 : i32 to vector<16xi32>
      %select_n3A_352 = arith.select %and3A_349, %broadcast_in_dim3A_351, %select_n3A_344 : vector<16xi1>, vector<16xi32>
      %eq3A_353 = arith.cmpf oeq, %get3A_59, %max3A_272 : vector<16xf32>
      %ne3A_354 = arith.constant 5 : i32
      %ne3A_355 = vector.broadcast %ne3A_354 : i32 to vector<16xi32>
      %ne3A_356 = arith.cmpi ne, %select_n3A_175, %ne3A_355 : vector<16xi32>
      %and3A_357 = arith.andi %eq3A_353, %ne3A_356 : vector<16xi1>
      %jit3A_358 = arith.constant 5 : i32
      %broadcast_in_dim3A_359 = vector.broadcast %jit3A_358 : i32 to vector<16xi32>
      %select_n3A_360 = arith.select %and3A_357, %broadcast_in_dim3A_359, %select_n3A_352 : vector<16xi1>, vector<16xi32>
      %eq3A_361 = arith.cmpf oeq, %get3A_55, %max3A_272 : vector<16xf32>
      %ne3A_362 = arith.constant 4 : i32
      %ne3A_363 = vector.broadcast %ne3A_362 : i32 to vector<16xi32>
      %ne3A_364 = arith.cmpi ne, %select_n3A_175, %ne3A_363 : vector<16xi32>
      %and3A_365 = arith.andi %eq3A_361, %ne3A_364 : vector<16xi1>
      %jit3A_366 = arith.constant 4 : i32
      %broadcast_in_dim3A_367 = vector.broadcast %jit3A_366 : i32 to vector<16xi32>
      %select_n3A_368 = arith.select %and3A_365, %broadcast_in_dim3A_367, %select_n3A_360 : vector<16xi1>, vector<16xi32>
      %eq3A_369 = arith.cmpf oeq, %get3A_51, %max3A_272 : vector<16xf32>
      %ne3A_370 = arith.constant 3 : i32
      %ne3A_371 = vector.broadcast %ne3A_370 : i32 to vector<16xi32>
      %ne3A_372 = arith.cmpi ne, %select_n3A_175, %ne3A_371 : vector<16xi32>
      %and3A_373 = arith.andi %eq3A_369, %ne3A_372 : vector<16xi1>
      %jit3A_374 = arith.constant 3 : i32
      %broadcast_in_dim3A_375 = vector.broadcast %jit3A_374 : i32 to vector<16xi32>
      %select_n3A_376 = arith.select %and3A_373, %broadcast_in_dim3A_375, %select_n3A_368 : vector<16xi1>, vector<16xi32>
      %eq3A_377 = arith.cmpf oeq, %get3A_47, %max3A_272 : vector<16xf32>
      %ne3A_378 = arith.constant 2 : i32
      %ne3A_379 = vector.broadcast %ne3A_378 : i32 to vector<16xi32>
      %ne3A_380 = arith.cmpi ne, %select_n3A_175, %ne3A_379 : vector<16xi32>
      %and3A_381 = arith.andi %eq3A_377, %ne3A_380 : vector<16xi1>
      %jit3A_382 = arith.constant 2 : i32
      %broadcast_in_dim3A_383 = vector.broadcast %jit3A_382 : i32 to vector<16xi32>
      %select_n3A_384 = arith.select %and3A_381, %broadcast_in_dim3A_383, %select_n3A_376 : vector<16xi1>, vector<16xi32>
      %eq3A_385 = arith.cmpf oeq, %get3A_43, %max3A_272 : vector<16xf32>
      %ne3A_386 = arith.constant 1 : i32
      %ne3A_387 = vector.broadcast %ne3A_386 : i32 to vector<16xi32>
      %ne3A_388 = arith.cmpi ne, %select_n3A_175, %ne3A_387 : vector<16xi32>
      %and3A_389 = arith.andi %eq3A_385, %ne3A_388 : vector<16xi1>
      %jit3A_390 = arith.constant 1 : i32
      %broadcast_in_dim3A_391 = vector.broadcast %jit3A_390 : i32 to vector<16xi32>
      %select_n3A_392 = arith.select %and3A_389, %broadcast_in_dim3A_391, %select_n3A_384 : vector<16xi1>, vector<16xi32>
      %eq3A_393 = arith.cmpf oeq, %get3A_39, %max3A_272 : vector<16xf32>
      %ne3A_394 = arith.constant 0 : i32
      %ne3A_395 = vector.broadcast %ne3A_394 : i32 to vector<16xi32>
      %ne3A_396 = arith.cmpi ne, %select_n3A_175, %ne3A_395 : vector<16xi32>
      %and3A_397 = arith.andi %eq3A_393, %ne3A_396 : vector<16xi1>
      %jit3A_398 = arith.constant 0 : i32
      %broadcast_in_dim3A_399 = vector.broadcast %jit3A_398 : i32 to vector<16xi32>
      %select_n3A_400 = arith.select %and3A_397, %broadcast_in_dim3A_399, %select_n3A_392 : vector<16xi1>, vector<16xi32>
      %sub3A = arith.subf %max3A_272, %max3A_113 : vector<16xf32>
      %exp3A = math.exp %sub3A : vector<16xf32>
      %add3A_401 = arith.constant 1.000000e+00 : f32
      %add3A_402 = vector.broadcast %add3A_401 : f32 to vector<16xf32>
      %add3A_403 = arith.addf %add3A_402, %exp3A : vector<16xf32>
      %div3A = arith.constant 1.000000e+00 : f32
      %div3A_404 = vector.broadcast %div3A : f32 to vector<16xf32>
      %div3A_405 = arith.divf %div3A_404, %add3A_403 : vector<16xf32>
      %mul3A_406 = arith.mulf %exp3A, %div3A_405 : vector<16xf32>
      %swap3A = arith.index_cast %mul3A_36 : i32 to index
      %swap3A_407 = tpu.vector_load %arg8[%swap3A] {strides = array<i32>} : memref<256xi32, #tpu.memory_space<vmem>>, vector<16xi32>,
      tpu.vector_store %arg8[%swap3A], %select_n3A_175 {strides = array<i32>} : memref<256xi32, #tpu.memory_space<vmem>>, vector<16xi32>,
      %swap3A_408 = arith.index_cast %mul3A_36 : i32 to index
      %swap3A_409 = tpu.vector_load %arg9[%swap3A_408] {strides = array<i32>} : memref<256xi32, #tpu.memory_space<vmem>>, vector<16xi32>,
      tpu.vector_store %arg9[%swap3A_408], %select_n3A_400 {strides = array<i32>} : memref<256xi32, #tpu.memory_space<vmem>>, vector<16xi32>,
      %swap3A_410 = arith.index_cast %mul3A_36 : i32 to index
      %swap3A_411 = tpu.vector_load %arg10[%swap3A_410] {strides = array<i32>} : memref<256xf32, #tpu.memory_space<vmem>>, vector<16xf32>,
      tpu.vector_store %arg10[%swap3A_410], %div3A_405 {strides = array<i32>} : memref<256xf32, #tpu.memory_space<vmem>>, vector<16xf32>,
      %swap3A_412 = arith.index_cast %mul3A_36 : i32 to index
      %swap3A_413 = tpu.vector_load %arg11[%swap3A_412] {strides = array<i32>} : memref<256xf32, #tpu.memory_space<vmem>>, vector<16xf32>,
      tpu.vector_store %arg11[%swap3A_412], %mul3A_406 {strides = array<i32>} : memref<256xf32, #tpu.memory_space<vmem>>, vector<16xf32>,
    }
    %scan3A_13 = arith.constant 16 : i32
    %dma_start3A_14 = tpu.memref_slice %arg3[%mul3A_2] : memref<8192xi32, #tpu.memory_space<hbm>> -> memref<256xi32, #tpu.memory_space<hbm>>
    %dma_start3A_15 = tpu.memref_slice %arg3[%mul3A_2] : memref<8192xi32, #tpu.memory_space<hbm>> -> memref<256xi32, #tpu.memory_space<hbm>>
    tpu.enqueue_dma source(%arg8 : memref<256xi32, #tpu.memory_space<vmem>>) target(%dma_start3A_15 : memref<256xi32, #tpu.memory_space<hbm>>) target_semaphore(%arg12 : memref<!tpu.dma_semaphore, #tpu.memory_space<semaphore_mem>>)
    %dma_wait3A_16 = tpu.memref_slice %arg3[%mul3A_2] : memref<8192xi32, #tpu.memory_space<hbm>> -> memref<256xi32, #tpu.memory_space<hbm>>
    %dma_wait3A_17 = tpu.memref_slice %arg3[%mul3A_2] : memref<8192xi32, #tpu.memory_space<hbm>> -> memref<256xi32, #tpu.memory_space<hbm>>
    tpu.wait_dma2 semaphore(%arg12 : memref<!tpu.dma_semaphore, #tpu.memory_space<semaphore_mem>>) src(%arg8 : memref<256xi32, #tpu.memory_space<vmem>>) dst(%dma_wait3A_17 : memref<256xi32, #tpu.memory_space<hbm>>)
    %dma_start3A_18 = tpu.memref_slice %arg4[%mul3A_2] : memref<8192xi32, #tpu.memory_space<hbm>> -> memref<256xi32, #tpu.memory_space<hbm>>
    %dma_start3A_19 = tpu.memref_slice %arg4[%mul3A_2] : memref<8192xi32, #tpu.memory_space<hbm>> -> memref<256xi32, #tpu.memory_space<hbm>>
    tpu.enqueue_dma source(%arg9 : memref<256xi32, #tpu.memory_space<vmem>>) target(%dma_start3A_19 : memref<256xi32, #tpu.memory_space<hbm>>) target_semaphore(%arg12 : memref<!tpu.dma_semaphore, #tpu.memory_space<semaphore_mem>>)
    %dma_wait3A_20 = tpu.memref_slice %arg4[%mul3A_2] : memref<8192xi32, #tpu.memory_space<hbm>> -> memref<256xi32, #tpu.memory_space<hbm>>
    %dma_wait3A_21 = tpu.memref_slice %arg4[%mul3A_2] : memref<8192xi32, #tpu.memory_space<hbm>> -> memref<256xi32, #tpu.memory_space<hbm>>
    tpu.wait_dma2 semaphore(%arg12 : memref<!tpu.dma_semaphore, #tpu.memory_space<semaphore_mem>>) src(%arg9 : memref<256xi32, #tpu.memory_space<vmem>>) dst(%dma_wait3A_21 : memref<256xi32, #tpu.memory_space<hbm>>)
    %dma_start3A_22 = tpu.memref_slice %arg5[%mul3A_2] : memref<8192xf32, #tpu.memory_space<hbm>> -> memref<256xf32, #tpu.memory_space<hbm>>
    %dma_start3A_23 = tpu.memref_slice %arg5[%mul3A_2] : memref<8192xf32, #tpu.memory_space<hbm>> -> memref<256xf32, #tpu.memory_space<hbm>>
    tpu.enqueue_dma source(%arg10 : memref<256xf32, #tpu.memory_space<vmem>>) target(%dma_start3A_23 : memref<256xf32, #tpu.memory_space<hbm>>) target_semaphore(%arg12 : memref<!tpu.dma_semaphore, #tpu.memory_space<semaphore_mem>>)
    %dma_wait3A_24 = tpu.memref_slice %arg5[%mul3A_2] : memref<8192xf32, #tpu.memory_space<hbm>> -> memref<256xf32, #tpu.memory_space<hbm>>
    %dma_wait3A_25 = tpu.memref_slice %arg5[%mul3A_2] : memref<8192xf32, #tpu.memory_space<hbm>> -> memref<256xf32, #tpu.memory_space<hbm>>
    tpu.wait_dma2 semaphore(%arg12 : memref<!tpu.dma_semaphore, #tpu.memory_space<semaphore_mem>>) src(%arg10 : memref<256xf32, #tpu.memory_space<vmem>>) dst(%dma_wait3A_25 : memref<256xf32, #tpu.memory_space<hbm>>)
    %dma_start3A_26 = tpu.memref_slice %arg6[%mul3A_2] : memref<8192xf32, #tpu.memory_space<hbm>> -> memref<256xf32, #tpu.memory_space<hbm>>
    %dma_start3A_27 = tpu.memref_slice %arg6[%mul3A_2] : memref<8192xf32, #tpu.memory_space<hbm>> -> memref<256xf32, #tpu.memory_space<hbm>>
    tpu.enqueue_dma source(%arg11 : memref<256xf32, #tpu.memory_space<vmem>>) target(%dma_start3A_27 : memref<256xf32, #tpu.memory_space<hbm>>) target_semaphore(%arg12 : memref<!tpu.dma_semaphore, #tpu.memory_space<semaphore_mem>>)
    %dma_wait3A_28 = tpu.memref_slice %arg6[%mul3A_2] : memref<8192xf32, #tpu.memory_space<hbm>> -> memref<256xf32, #tpu.memory_space<hbm>>
    %dma_wait3A_29 = tpu.memref_slice %arg6[%mul3A_2] : memref<8192xf32, #tpu.memory_space<hbm>> -> memref<256xf32, #tpu.memory_space<hbm>>
    tpu.wait_dma2 semaphore(%arg12 : memref<!tpu.dma_semaphore, #tpu.memory_space<semaphore_mem>>) src(%arg11 : memref<256xf32, #tpu.memory_space<vmem>>) dst(%dma_wait3A_29 : memref<256xf32, #tpu.memory_space<hbm>>)
    return
  }
}

module attributes {stable_mosaic.version = 14 : i64} {
  func.func @_proj_gate_kernel(%arg0: i32, %arg1: memref<1024x2048xf32, #tpu.memory_space<vmem>>, %arg2: memref<1024x3xf32, #tpu.memory_space<vmem>>, %arg3: memref<2048x512xf32, #tpu.memory_space<vmem>>, %arg4: memref<1x512xf32, #tpu.memory_space<vmem>>, %arg5: memref<1x512xf32, #tpu.memory_space<vmem>>, %arg6: memref<1x512xf32, #tpu.memory_space<vmem>>, %arg7: memref<512x256xf32, #tpu.memory_space<vmem>>, %arg8: memref<1x256xf32, #tpu.memory_space<vmem>>, %arg9: memref<256x32xf32, #tpu.memory_space<vmem>>, %arg10: memref<3x32xf32, #tpu.memory_space<vmem>>, %arg11: memref<1x32xf32, #tpu.memory_space<vmem>>, %arg12: memref<32x16xf32, #tpu.memory_space<vmem>>, %arg13: memref<1x16xf32, #tpu.memory_space<vmem>>, %arg14: memref<1024x256xf32, #tpu.memory_space<vmem>>, %arg15: memref<1024x16xf32, #tpu.memory_space<vmem>>, %arg16: memref<16x1024xf32, #tpu.memory_space<vmem>>, %arg17: memref<1024x16xf32, #tpu.memory_space<vmem>>, %arg18: memref<1x1x16xf32, #tpu.memory_space<vmem>>) attributes {dimension_semantics = [#tpu.dimension_semantics<parallel>], iteration_bounds = array<i64: 8>, scalar_prefetch = 0 : i64, scratch_operands = 0 : i64, tpu.core_type = #tpu.core_type<tc>, window_params = [{transform_indices = @transform_0, window_bounds = array<i64: 1024, 2048>}, {transform_indices = @transform_1, window_bounds = array<i64: 1024, 3>}, {pipeline_mode = #tpu.pipeline_mode<synchronous>, transform_indices = @transform_2, window_bounds = array<i64: 2048, 512>}, {pipeline_mode = #tpu.pipeline_mode<synchronous>, transform_indices = @transform_3, window_bounds = array<i64: 1, 512>}, {pipeline_mode = #tpu.pipeline_mode<synchronous>, transform_indices = @transform_4, window_bounds = array<i64: 1, 512>}, {pipeline_mode = #tpu.pipeline_mode<synchronous>, transform_indices = @transform_5, window_bounds = array<i64: 1, 512>}, {pipeline_mode = #tpu.pipeline_mode<synchronous>, transform_indices = @transform_6, window_bounds = array<i64: 512, 256>}, {pipeline_mode = #tpu.pipeline_mode<synchronous>, transform_indices = @transform_7, window_bounds = array<i64: 1, 256>}, {pipeline_mode = #tpu.pipeline_mode<synchronous>, transform_indices = @transform_8, window_bounds = array<i64: 256, 32>}, {pipeline_mode = #tpu.pipeline_mode<synchronous>, transform_indices = @transform_9, window_bounds = array<i64: 3, 32>}, {pipeline_mode = #tpu.pipeline_mode<synchronous>, transform_indices = @transform_10, window_bounds = array<i64: 1, 32>}, {pipeline_mode = #tpu.pipeline_mode<synchronous>, transform_indices = @transform_11, window_bounds = array<i64: 32, 16>}, {pipeline_mode = #tpu.pipeline_mode<synchronous>, transform_indices = @transform_12, window_bounds = array<i64: 1, 16>}, {transform_indices = @transform_13, window_bounds = array<i64: 1024, 256>}, {transform_indices = @transform_14, window_bounds = array<i64: 1024, 16>}, {transform_indices = @transform_15, window_bounds = array<i64: 16, 1024>}, {transform_indices = @transform_16, window_bounds = array<i64: 1024, 16>}, {transform_indices = @transform_17, window_bounds = array<i64: 1, 1, 16>}]} {
    %get3A = arith.constant 0 : index
    %get3A_0 = arith.constant 0 : index
    %get3A_1 = vector.load %arg1[%get3A, %get3A_0] : memref<1024x2048xf32, #tpu.memory_space<vmem>>, vector<1024x2048xf32>
    %get3A_2 = arith.constant 0 : index
    %get3A_3 = arith.constant 0 : index
    %get3A_4 = vector.load %arg3[%get3A_2, %get3A_3] : memref<2048x512xf32, #tpu.memory_space<vmem>>, vector<2048x512xf32>
    %dot_general3A = arith.constant dense<0.000000e+00> : vector<1024x512xf32>
    %dot_general3A_5 = tpu.matmul %get3A_1, %get3A_4, %dot_general3A {dimension_numbers = #tpu.dot_dimension_numbers<[1], [0], [0], [1], [0, 0, 1, 1], [], []>, transpose_lhs_hint = false} : vector<1024x2048xf32>, vector<2048x512xf32>, vector<1024x512xf32> -> vector<1024x512xf32>
    %get3A_6 = arith.constant 0 : index
    %get3A_7 = arith.constant 0 : index
    %get3A_8 = vector.load %arg4[%get3A_6, %get3A_7] : memref<1x512xf32, #tpu.memory_space<vmem>>, vector<1x512xf32>
    %add3A = vector.broadcast %get3A_8 : vector<1x512xf32> to vector<1024x512xf32>
    %add3A_9 = arith.addf %dot_general3A_5, %add3A : vector<1024x512xf32>
    %mul3A = arith.constant 5.000000e-01 : f32
    %mul3A_10 = vector.broadcast %mul3A : f32 to vector<1024x512xf32>
    %mul3A_11 = arith.mulf %mul3A_10, %add3A_9 : vector<1024x512xf32>
    %mul3A_12 = arith.constant 0.707106769 : f32
    %mul3A_13 = vector.broadcast %mul3A_12 : f32 to vector<1024x512xf32>
    %mul3A_14 = arith.mulf %add3A_9, %mul3A_13 : vector<1024x512xf32>
    %erf3A = math.erf %mul3A_14 : vector<1024x512xf32>
    %add3A_15 = arith.constant 1.000000e+00 : f32
    %add3A_16 = vector.broadcast %add3A_15 : f32 to vector<1024x512xf32>
    %add3A_17 = arith.addf %add3A_16, %erf3A : vector<1024x512xf32>
    %mul3A_18 = arith.mulf %mul3A_11, %add3A_17 : vector<1024x512xf32>
    %reduce_sum3A = arith.constant dense<0.000000e+00> : vector<1024xf32>
    %reduce_sum3A_19 = vector.multi_reduction <add>, %mul3A_18, %reduce_sum3A [1] : vector<1024x512xf32> to vector<1024xf32>
    %broadcast_in_dim3A = vector.shape_cast %reduce_sum3A_19 : vector<1024xf32> to vector<1024x1xf32>
    %div3A = arith.constant 5.120000e+02 : f32
    %div3A_20 = vector.broadcast %div3A : f32 to vector<1024x1xf32>
    %div3A_21 = arith.divf %broadcast_in_dim3A, %div3A_20 : vector<1024x1xf32>
    %sub3A = vector.broadcast %div3A_21 : vector<1024x1xf32> to vector<1024x512xf32>
    %sub3A_22 = arith.subf %mul3A_18, %sub3A : vector<1024x512xf32>
    %mul3A_23 = arith.mulf %sub3A_22, %sub3A_22 : vector<1024x512xf32>
    %reduce_sum3A_24 = arith.constant dense<0.000000e+00> : vector<1024xf32>
    %reduce_sum3A_25 = vector.multi_reduction <add>, %mul3A_23, %reduce_sum3A_24 [1] : vector<1024x512xf32> to vector<1024xf32>
    %broadcast_in_dim3A_26 = vector.shape_cast %reduce_sum3A_25 : vector<1024xf32> to vector<1024x1xf32>
    %div3A_27 = arith.constant 5.120000e+02 : f32
    %div3A_28 = vector.broadcast %div3A_27 : f32 to vector<1024x1xf32>
    %div3A_29 = arith.divf %broadcast_in_dim3A_26, %div3A_28 : vector<1024x1xf32>
    %add3A_30 = arith.constant 9.99999974E-6 : f32
    %add3A_31 = vector.broadcast %add3A_30 : f32 to vector<1024x1xf32>
    %add3A_32 = arith.addf %div3A_29, %add3A_31 : vector<1024x1xf32>
    %rsqrt3A = math.rsqrt %add3A_32 : vector<1024x1xf32>
    %mul3A_33 = vector.broadcast %rsqrt3A : vector<1024x1xf32> to vector<1024x512xf32>
    %mul3A_34 = arith.mulf %sub3A_22, %mul3A_33 : vector<1024x512xf32>
    %get3A_35 = arith.constant 0 : index
    %get3A_36 = arith.constant 0 : index
    %get3A_37 = vector.load %arg5[%get3A_35, %get3A_36] : memref<1x512xf32, #tpu.memory_space<vmem>>, vector<1x512xf32>
    %mul3A_38 = vector.broadcast %get3A_37 : vector<1x512xf32> to vector<1024x512xf32>
    %mul3A_39 = arith.mulf %mul3A_34, %mul3A_38 : vector<1024x512xf32>
    %get3A_40 = arith.constant 0 : index
    %get3A_41 = arith.constant 0 : index
    %get3A_42 = vector.load %arg6[%get3A_40, %get3A_41] : memref<1x512xf32, #tpu.memory_space<vmem>>, vector<1x512xf32>
    %add3A_43 = vector.broadcast %get3A_42 : vector<1x512xf32> to vector<1024x512xf32>
    %add3A_44 = arith.addf %mul3A_39, %add3A_43 : vector<1024x512xf32>
    %get3A_45 = arith.constant 0 : index
    %get3A_46 = arith.constant 0 : index
    %get3A_47 = vector.load %arg7[%get3A_45, %get3A_46] : memref<512x256xf32, #tpu.memory_space<vmem>>, vector<512x256xf32>
    %dot_general3A_48 = arith.constant dense<0.000000e+00> : vector<1024x256xf32>
    %dot_general3A_49 = tpu.matmul %add3A_44, %get3A_47, %dot_general3A_48 {dimension_numbers = #tpu.dot_dimension_numbers<[1], [0], [0], [1], [0, 0, 1, 1], [], []>, transpose_lhs_hint = false} : vector<1024x512xf32>, vector<512x256xf32>, vector<1024x256xf32> -> vector<1024x256xf32>
    %get3A_50 = arith.constant 0 : index
    %get3A_51 = arith.constant 0 : index
    %get3A_52 = vector.load %arg8[%get3A_50, %get3A_51] : memref<1x256xf32, #tpu.memory_space<vmem>>, vector<1x256xf32>
    %add3A_53 = vector.broadcast %get3A_52 : vector<1x256xf32> to vector<1024x256xf32>
    %add3A_54 = arith.addf %dot_general3A_49, %add3A_53 : vector<1024x256xf32>
    %swap3A = arith.constant 0 : index
    %swap3A_55 = arith.constant 0 : index
    %swap3A_56 = vector.load %arg14[%swap3A, %swap3A_55] : memref<1024x256xf32, #tpu.memory_space<vmem>>, vector<1024x256xf32>
    tpu.vector_store %arg14[%swap3A, %swap3A_55], %add3A_54 {strides = array<i32>} : memref<1024x256xf32, #tpu.memory_space<vmem>>, vector<1024x256xf32>,
    %get3A_57 = arith.constant 0 : index
    %get3A_58 = arith.constant 0 : index
    %get3A_59 = vector.load %arg9[%get3A_57, %get3A_58] : memref<256x32xf32, #tpu.memory_space<vmem>>, vector<256x32xf32>
    %dot_general3A_60 = arith.constant dense<0.000000e+00> : vector<1024x32xf32>
    %dot_general3A_61 = tpu.matmul %add3A_54, %get3A_59, %dot_general3A_60 {dimension_numbers = #tpu.dot_dimension_numbers<[1], [0], [0], [1], [0, 0, 1, 1], [], []>, transpose_lhs_hint = false} : vector<1024x256xf32>, vector<256x32xf32>, vector<1024x32xf32> -> vector<1024x32xf32>
    %get3A_62 = arith.constant 0 : index
    %get3A_63 = arith.constant 0 : index
    %get3A_64 = vector.load %arg2[%get3A_62, %get3A_63] : memref<1024x3xf32, #tpu.memory_space<vmem>>, vector<1024x3xf32>
    %get3A_65 = arith.constant 0 : index
    %get3A_66 = arith.constant 0 : index
    %get3A_67 = vector.load %arg10[%get3A_65, %get3A_66] : memref<3x32xf32, #tpu.memory_space<vmem>>, vector<3x32xf32>
    %dot_general3A_68 = arith.constant dense<0.000000e+00> : vector<1024x32xf32>
    %dot_general3A_69 = tpu.matmul %get3A_64, %get3A_67, %dot_general3A_68 {dimension_numbers = #tpu.dot_dimension_numbers<[1], [0], [0], [1], [0, 0, 1, 1], [], []>, transpose_lhs_hint = false} : vector<1024x3xf32>, vector<3x32xf32>, vector<1024x32xf32> -> vector<1024x32xf32>
    %add3A_70 = arith.addf %dot_general3A_61, %dot_general3A_69 : vector<1024x32xf32>
    %get3A_71 = arith.constant 0 : index
    %get3A_72 = arith.constant 0 : index
    %get3A_73 = vector.load %arg11[%get3A_71, %get3A_72] : memref<1x32xf32, #tpu.memory_space<vmem>>, vector<1x32xf32>
    %add3A_74 = vector.broadcast %get3A_73 : vector<1x32xf32> to vector<1024x32xf32>
    %add3A_75 = arith.addf %add3A_70, %add3A_74 : vector<1024x32xf32>
    %mul3A_76 = arith.constant 5.000000e-01 : f32
    %mul3A_77 = vector.broadcast %mul3A_76 : f32 to vector<1024x32xf32>
    %mul3A_78 = arith.mulf %mul3A_77, %add3A_75 : vector<1024x32xf32>
    %mul3A_79 = arith.constant 0.707106769 : f32
    %mul3A_80 = vector.broadcast %mul3A_79 : f32 to vector<1024x32xf32>
    %mul3A_81 = arith.mulf %add3A_75, %mul3A_80 : vector<1024x32xf32>
    %erf3A_82 = math.erf %mul3A_81 : vector<1024x32xf32>
    %add3A_83 = arith.constant 1.000000e+00 : f32
    %add3A_84 = vector.broadcast %add3A_83 : f32 to vector<1024x32xf32>
    %add3A_85 = arith.addf %add3A_84, %erf3A_82 : vector<1024x32xf32>
    %mul3A_86 = arith.mulf %mul3A_78, %add3A_85 : vector<1024x32xf32>
    %get3A_87 = arith.constant 0 : index
    %get3A_88 = arith.constant 0 : index
    %get3A_89 = vector.load %arg12[%get3A_87, %get3A_88] : memref<32x16xf32, #tpu.memory_space<vmem>>, vector<32x16xf32>
    %dot_general3A_90 = arith.constant dense<0.000000e+00> : vector<1024x16xf32>
    %dot_general3A_91 = tpu.matmul %mul3A_86, %get3A_89, %dot_general3A_90 {dimension_numbers = #tpu.dot_dimension_numbers<[1], [0], [0], [1], [0, 0, 1, 1], [], []>, transpose_lhs_hint = false} : vector<1024x32xf32>, vector<32x16xf32>, vector<1024x16xf32> -> vector<1024x16xf32>
    %get3A_92 = arith.constant 0 : index
    %get3A_93 = arith.constant 0 : index
    %get3A_94 = vector.load %arg13[%get3A_92, %get3A_93] : memref<1x16xf32, #tpu.memory_space<vmem>>, vector<1x16xf32>
    %add3A_95 = vector.broadcast %get3A_94 : vector<1x16xf32> to vector<1024x16xf32>
    %add3A_96 = arith.addf %dot_general3A_91, %add3A_95 : vector<1024x16xf32>
    %swap3A_97 = arith.constant 0 : index
    %swap3A_98 = arith.constant 0 : index
    %swap3A_99 = vector.load %arg15[%swap3A_97, %swap3A_98] : memref<1024x16xf32, #tpu.memory_space<vmem>>, vector<1024x16xf32>
    tpu.vector_store %arg15[%swap3A_97, %swap3A_98], %add3A_96 {strides = array<i32>} : memref<1024x16xf32, #tpu.memory_space<vmem>>, vector<1024x16xf32>,
    %transpose3A = tpu.transpose %add3A_96, [1, 0] : vector<1024x16xf32> -> vector<16x1024xf32>
    %swap3A_100 = arith.constant 0 : index
    %swap3A_101 = arith.constant 0 : index
    %swap3A_102 = vector.load %arg16[%swap3A_100, %swap3A_101] : memref<16x1024xf32, #tpu.memory_space<vmem>>, vector<16x1024xf32>
    tpu.vector_store %arg16[%swap3A_100, %swap3A_101], %transpose3A {strides = array<i32>} : memref<16x1024xf32, #tpu.memory_space<vmem>>, vector<16x1024xf32>,
    %reduce_max3A = arith.constant dense<0xFF800000> : vector<1024xf32>
    %reduce_max3A_103 = vector.multi_reduction <maximumf>, %add3A_96, %reduce_max3A [1] : vector<1024x16xf32> to vector<1024xf32>
    %broadcast_in_dim3A_104 = vector.shape_cast %reduce_max3A_103 : vector<1024xf32> to vector<1024x1xf32>
    %sub3A_105 = vector.broadcast %broadcast_in_dim3A_104 : vector<1024x1xf32> to vector<1024x16xf32>
    %sub3A_106 = arith.subf %add3A_96, %sub3A_105 : vector<1024x16xf32>
    %exp3A = math.exp %sub3A_106 : vector<1024x16xf32>
    %reduce_sum3A_107 = arith.constant dense<0.000000e+00> : vector<1024xf32>
    %reduce_sum3A_108 = vector.multi_reduction <add>, %exp3A, %reduce_sum3A_107 [1] : vector<1024x16xf32> to vector<1024xf32>
    %broadcast_in_dim3A_109 = vector.shape_cast %reduce_sum3A_108 : vector<1024xf32> to vector<1024x1xf32>
    %div3A_110 = vector.broadcast %broadcast_in_dim3A_109 : vector<1024x1xf32> to vector<1024x16xf32>
    %div3A_111 = arith.divf %exp3A, %div3A_110 : vector<1024x16xf32>
    %swap3A_112 = arith.constant 0 : index
    %swap3A_113 = arith.constant 0 : index
    %swap3A_114 = vector.load %arg17[%swap3A_112, %swap3A_113] : memref<1024x16xf32, #tpu.memory_space<vmem>>, vector<1024x16xf32>
    tpu.vector_store %arg17[%swap3A_112, %swap3A_113], %div3A_111 {strides = array<i32>} : memref<1024x16xf32, #tpu.memory_space<vmem>>, vector<1024x16xf32>,
    %reduce_sum3A_115 = arith.constant dense<0.000000e+00> : vector<16xf32>
    %reduce_sum3A_116 = vector.multi_reduction <add>, %div3A_111, %reduce_sum3A_115 [0] : vector<1024x16xf32> to vector<16xf32>
    %broadcast_in_dim3A_117 = vector.shape_cast %reduce_sum3A_116 : vector<16xf32> to vector<1x16xf32>
    %broadcast_in_dim3A_118 = vector.shape_cast %broadcast_in_dim3A_117 : vector<1x16xf32> to vector<1x1x16xf32>
    %swap3A_119 = arith.constant 0 : index
    %swap3A_120 = arith.constant 0 : index
    %swap3A_121 = arith.constant 0 : index
    %swap3A_122 = vector.load %arg18[%swap3A_119, %swap3A_120, %swap3A_121] : memref<1x1x16xf32, #tpu.memory_space<vmem>>, vector<1x1x16xf32>
    tpu.vector_store %arg18[%swap3A_119, %swap3A_120, %swap3A_121], %broadcast_in_dim3A_118 {strides = array<i32>} : memref<1x1x16xf32, #tpu.memory_space<vmem>>, vector<1x1x16xf32>,
    return
  }
  func.func @transform_0(%arg0: i32) -> (i32, i32) {
    %c0_i32 = arith.constant 0 : i32
    %c0_i32_0 = arith.constant 0 : i32
    return %arg0, %c0_i32 : i32, i32
  }
  func.func @transform_1(%arg0: i32) -> (i32, i32) {
    %c0_i32 = arith.constant 0 : i32
    %c0_i32_0 = arith.constant 0 : i32
    return %arg0, %c0_i32 : i32, i32
  }
  func.func @transform_2(%arg0: i32) -> (i32, i32) {
    %c0_i32 = arith.constant 0 : i32
    %c0_i32_0 = arith.constant 0 : i32
    %c0_i32_1 = arith.constant 0 : i32
    return %c0_i32, %c0_i32_0 : i32, i32
  }
  func.func @transform_3(%arg0: i32) -> (i32, i32) {
    %c0_i32 = arith.constant 0 : i32
    %c0_i32_0 = arith.constant 0 : i32
    %c0_i32_1 = arith.constant 0 : i32
    return %c0_i32, %c0_i32_0 : i32, i32
  }
  func.func @transform_4(%arg0: i32) -> (i32, i32) {
    %c0_i32 = arith.constant 0 : i32
    %c0_i32_0 = arith.constant 0 : i32
    %c0_i32_1 = arith.constant 0 : i32
    return %c0_i32, %c0_i32_0 : i32, i32
  }
  func.func @transform_5(%arg0: i32) -> (i32, i32) {
    %c0_i32 = arith.constant 0 : i32
    %c0_i32_0 = arith.constant 0 : i32
    %c0_i32_1 = arith.constant 0 : i32
    return %c0_i32, %c0_i32_0 : i32, i32
  }
  func.func @transform_6(%arg0: i32) -> (i32, i32) {
    %c0_i32 = arith.constant 0 : i32
    %c0_i32_0 = arith.constant 0 : i32
    %c0_i32_1 = arith.constant 0 : i32
    return %c0_i32, %c0_i32_0 : i32, i32
  }
  func.func @transform_7(%arg0: i32) -> (i32, i32) {
    %c0_i32 = arith.constant 0 : i32
    %c0_i32_0 = arith.constant 0 : i32
    %c0_i32_1 = arith.constant 0 : i32
    return %c0_i32, %c0_i32_0 : i32, i32
  }
  func.func @transform_8(%arg0: i32) -> (i32, i32) {
    %c0_i32 = arith.constant 0 : i32
    %c0_i32_0 = arith.constant 0 : i32
    %c0_i32_1 = arith.constant 0 : i32
    return %c0_i32, %c0_i32_0 : i32, i32
  }
  func.func @transform_9(%arg0: i32) -> (i32, i32) {
    %c0_i32 = arith.constant 0 : i32
    %c0_i32_0 = arith.constant 0 : i32
    %c0_i32_1 = arith.constant 0 : i32
    return %c0_i32, %c0_i32_0 : i32, i32
  }
  func.func @transform_10(%arg0: i32) -> (i32, i32) {
    %c0_i32 = arith.constant 0 : i32
    %c0_i32_0 = arith.constant 0 : i32
    %c0_i32_1 = arith.constant 0 : i32
    return %c0_i32, %c0_i32_0 : i32, i32
  }
  func.func @transform_11(%arg0: i32) -> (i32, i32) {
    %c0_i32 = arith.constant 0 : i32
    %c0_i32_0 = arith.constant 0 : i32
    %c0_i32_1 = arith.constant 0 : i32
    return %c0_i32, %c0_i32_0 : i32, i32
  }
  func.func @transform_12(%arg0: i32) -> (i32, i32) {
    %c0_i32 = arith.constant 0 : i32
    %c0_i32_0 = arith.constant 0 : i32
    %c0_i32_1 = arith.constant 0 : i32
    return %c0_i32, %c0_i32_0 : i32, i32
  }
  func.func @transform_13(%arg0: i32) -> (i32, i32) {
    %c0_i32 = arith.constant 0 : i32
    %c0_i32_0 = arith.constant 0 : i32
    return %arg0, %c0_i32 : i32, i32
  }
  func.func @transform_14(%arg0: i32) -> (i32, i32) {
    %c0_i32 = arith.constant 0 : i32
    %c0_i32_0 = arith.constant 0 : i32
    return %arg0, %c0_i32 : i32, i32
  }
  func.func @transform_15(%arg0: i32) -> (i32, i32) {
    %c0_i32 = arith.constant 0 : i32
    %c0_i32_0 = arith.constant 0 : i32
    return %c0_i32, %arg0 : i32, i32
  }
  func.func @transform_16(%arg0: i32) -> (i32, i32) {
    %c0_i32 = arith.constant 0 : i32
    %c0_i32_0 = arith.constant 0 : i32
    return %arg0, %c0_i32 : i32, i32
  }
  func.func @transform_17(%arg0: i32) -> (i32, i32, i32) {
    %c0_i32 = arith.constant 0 : i32
    %c0_i32_0 = arith.constant 0 : i32
    %c0_i32_1 = arith.constant 0 : i32
    return %arg0, %c0_i32, %c0_i32_0 : i32, i32, i32
  }
}

module attributes {stable_mosaic.version = 14 : i64} {
  func.func @_expert_kernel(%arg0: i32, %arg1: memref<1024x256xf32, #tpu.memory_space<vmem>>, %arg2: memref<1024x2xi32, #tpu.memory_space<vmem>>, %arg3: memref<1024x2xf32, #tpu.memory_space<vmem>>, %arg4: memref<16x256x256xbf16, #tpu.memory_space<vmem>>, %arg5: memref<1x4096xf32, #tpu.memory_space<vmem>>, %arg6: memref<16x256x128xbf16, #tpu.memory_space<vmem>>, %arg7: memref<1x2048xf32, #tpu.memory_space<vmem>>, %arg8: memref<1024x128xf32, #tpu.memory_space<vmem>>, %arg9: memref<1024x16x128xf32, #tpu.memory_space<vmem>>) attributes {dimension_semantics = [#tpu.dimension_semantics<parallel>], iteration_bounds = array<i64: 8>, scalar_prefetch = 0 : i64, scratch_operands = 0 : i64, tpu.core_type = #tpu.core_type<tc>, window_params = [{transform_indices = @transform_0, window_bounds = array<i64: 1024, 256>}, {transform_indices = @transform_1, window_bounds = array<i64: 1024, 2>}, {transform_indices = @transform_2, window_bounds = array<i64: 1024, 2>}, {pipeline_mode = #tpu.pipeline_mode<synchronous>, transform_indices = @transform_3, window_bounds = array<i64: 16, 256, 256>}, {pipeline_mode = #tpu.pipeline_mode<synchronous>, transform_indices = @transform_4, window_bounds = array<i64: 1, 4096>}, {pipeline_mode = #tpu.pipeline_mode<synchronous>, transform_indices = @transform_5, window_bounds = array<i64: 16, 256, 128>}, {pipeline_mode = #tpu.pipeline_mode<synchronous>, transform_indices = @transform_6, window_bounds = array<i64: 1, 2048>}, {transform_indices = @transform_7, window_bounds = array<i64: 1024, 128>}, {transform_indices = @transform_8, window_bounds = array<i64: 1024, 16, 128>}]} {
    %get3A = arith.constant 0 : index
    %get3A_0 = arith.constant 0 : index
    %get3A_1 = vector.load %arg1[%get3A, %get3A_0] : memref<1024x256xf32, #tpu.memory_space<vmem>>, vector<1024x256xf32>
    %convert_element_type3A = arith.truncf %get3A_1 : vector<1024x256xf32> to vector<1024x256xbf16>
    %iota3A = tpu.iota {dimensions = array<i32: 1>} : vector<1024x16xi32>
    %get3A_2 = arith.constant 0 : index
    %get3A_3 = arith.constant 0 : index
    %get3A_4 = vector.load %arg2[%get3A_2, %get3A_3] : memref<1024x2xi32, #tpu.memory_space<vmem>>, vector<1024x1xi32>
    %eq3A = vector.broadcast %get3A_4 : vector<1024x1xi32> to vector<1024x16xi32>
    %eq3A_5 = arith.cmpi eq, %iota3A, %eq3A : vector<1024x16xi32>
    %get3A_6 = arith.constant 0 : index
    %get3A_7 = arith.constant 0 : index
    %get3A_8 = vector.load %arg3[%get3A_6, %get3A_7] : memref<1024x2xf32, #tpu.memory_space<vmem>>, vector<1024x1xf32>
    %jit3A = arith.constant 0.000000e+00 : f32
    %broadcast_in_dim3A = vector.shape_cast %get3A_8 : vector<1024x1xf32> to vector<1024x1xf32>
    %broadcast_in_dim3A_9 = vector.broadcast %broadcast_in_dim3A : vector<1024x1xf32> to vector<1024x16xf32>
    %broadcast_in_dim3A_10 = vector.broadcast %jit3A : f32 to vector<1024x16xf32>
    %select_n3A = arith.select %eq3A_5, %broadcast_in_dim3A_9, %broadcast_in_dim3A_10 : vector<1024x16xi1>, vector<1024x16xf32>
    %get3A_11 = arith.constant 0 : index
    %get3A_12 = arith.constant 1 : index
    %get3A_13 = vector.load %arg2[%get3A_11, %get3A_12] : memref<1024x2xi32, #tpu.memory_space<vmem>>, vector<1024x1xi32>
    %eq3A_14 = vector.broadcast %get3A_13 : vector<1024x1xi32> to vector<1024x16xi32>
    %eq3A_15 = arith.cmpi eq, %iota3A, %eq3A_14 : vector<1024x16xi32>
    %get3A_16 = arith.constant 0 : index
    %get3A_17 = arith.constant 1 : index
    %get3A_18 = vector.load %arg3[%get3A_16, %get3A_17] : memref<1024x2xf32, #tpu.memory_space<vmem>>, vector<1024x1xf32>
    %jit3A_19 = arith.constant 0.000000e+00 : f32
    %broadcast_in_dim3A_20 = vector.shape_cast %get3A_18 : vector<1024x1xf32> to vector<1024x1xf32>
    %broadcast_in_dim3A_21 = vector.broadcast %broadcast_in_dim3A_20 : vector<1024x1xf32> to vector<1024x16xf32>
    %broadcast_in_dim3A_22 = vector.broadcast %jit3A_19 : f32 to vector<1024x16xf32>
    %select_n3A_23 = arith.select %eq3A_15, %broadcast_in_dim3A_21, %broadcast_in_dim3A_22 : vector<1024x16xi1>, vector<1024x16xf32>
    %add3A = arith.addf %select_n3A, %select_n3A_23 : vector<1024x16xf32>
    %broadcast_in_dim3A_24 = arith.constant 0.000000e+00 : f32
    %broadcast_in_dim3A_25 = vector.broadcast %broadcast_in_dim3A_24 : f32 to vector<1024x128xf32>
    %get3A_26 = arith.constant 0 : index
    %get3A_27 = arith.constant 0 : index
    %get3A_28 = arith.constant 0 : index
    %get3A_29 = vector.load %arg4[%get3A_26, %get3A_27, %get3A_28] : memref<16x256x256xbf16, #tpu.memory_space<vmem>>, vector<1x256x256xbf16>
    %get3A_30 = vector.shape_cast %get3A_29 : vector<1x256x256xbf16> to vector<256x256xbf16>
    %dot_general3A = arith.constant dense<0.000000e+00> : vector<1024x256xf32>
    %dot_general3A_31 = tpu.matmul %convert_element_type3A, %get3A_30, %dot_general3A {dimension_numbers = #tpu.dot_dimension_numbers<[1], [0], [0], [1], [0, 0, 1, 1], [], []>, transpose_lhs_hint = false} : vector<1024x256xbf16>, vector<256x256xbf16>, vector<1024x256xf32> -> vector<1024x256xf32>
    %get3A_32 = arith.constant 0 : index
    %get3A_33 = arith.constant 0 : index
    %get3A_34 = vector.load %arg5[%get3A_32, %get3A_33] : memref<1x4096xf32, #tpu.memory_space<vmem>>, vector<1x256xf32>
    %add3A_35 = vector.broadcast %get3A_34 : vector<1x256xf32> to vector<1024x256xf32>
    %add3A_36 = arith.addf %dot_general3A_31, %add3A_35 : vector<1024x256xf32>
    %convert_element_type3A_37 = arith.truncf %add3A_36 : vector<1024x256xf32> to vector<1024x256xbf16>
    %mul3A = arith.constant 5.000000e-01 : bf16
    %mul3A_38 = vector.broadcast %mul3A : bf16 to vector<1024x256xbf16>
    %mul3A_39 = arith.mulf %mul3A_38, %convert_element_type3A_37 : vector<1024x256xbf16>
    %mul3A_40 = arith.constant 7.070310e-01 : bf16
    %mul3A_41 = vector.broadcast %mul3A_40 : bf16 to vector<1024x256xbf16>
    %mul3A_42 = arith.mulf %convert_element_type3A_37, %mul3A_41 : vector<1024x256xbf16>
    %erf3A = math.erf %mul3A_42 : vector<1024x256xbf16>
    %add3A_43 = arith.constant 1.000000e+00 : bf16
    %add3A_44 = vector.broadcast %add3A_43 : bf16 to vector<1024x256xbf16>
    %add3A_45 = arith.addf %add3A_44, %erf3A : vector<1024x256xbf16>
    %mul3A_46 = arith.mulf %mul3A_39, %add3A_45 : vector<1024x256xbf16>
    %get3A_47 = arith.constant 0 : index
    %get3A_48 = arith.constant 0 : index
    %get3A_49 = arith.constant 0 : index
    %get3A_50 = vector.load %arg6[%get3A_47, %get3A_48, %get3A_49] : memref<16x256x128xbf16, #tpu.memory_space<vmem>>, vector<1x256x128xbf16>
    %get3A_51 = vector.shape_cast %get3A_50 : vector<1x256x128xbf16> to vector<256x128xbf16>
    %dot_general3A_52 = arith.constant dense<0.000000e+00> : vector<1024x128xf32>
    %dot_general3A_53 = tpu.matmul %mul3A_46, %get3A_51, %dot_general3A_52 {dimension_numbers = #tpu.dot_dimension_numbers<[1], [0], [0], [1], [0, 0, 1, 1], [], []>, transpose_lhs_hint = false} : vector<1024x256xbf16>, vector<256x128xbf16>, vector<1024x128xf32> -> vector<1024x128xf32>
    %get3A_54 = arith.constant 0 : index
    %get3A_55 = arith.constant 0 : index
    %get3A_56 = vector.load %arg7[%get3A_54, %get3A_55] : memref<1x2048xf32, #tpu.memory_space<vmem>>, vector<1x128xf32>
    %add3A_57 = vector.broadcast %get3A_56 : vector<1x128xf32> to vector<1024x128xf32>
    %add3A_58 = arith.addf %dot_general3A_53, %add3A_57 : vector<1024x128xf32>
    %swap3A = arith.constant 0 : index
    %swap3A_59 = arith.constant 0 : index
    %swap3A_60 = arith.constant 0 : index
    %swap3A_61 = vector.load %arg9[%swap3A, %swap3A_59, %swap3A_60] : memref<1024x16x128xf32, #tpu.memory_space<vmem>>, vector<1024x1x128xf32>
    %swap3A_62 = vector.shape_cast %swap3A_61 : vector<1024x1x128xf32> to vector<1024x128xf32>
    %swap3A_63 = vector.shape_cast %add3A_58 : vector<1024x128xf32> to vector<1024x1x128xf32>
    tpu.vector_store %arg9[%swap3A, %swap3A_59, %swap3A_60], %swap3A_63 {strides = array<i32>} : memref<1024x16x128xf32, #tpu.memory_space<vmem>>, vector<1024x1x128xf32>,
    %slice3A = vector.extract_strided_slice %add3A {offsets = [0, 0], sizes = [1024, 1], strides = [1, 1]} : vector<1024x16xf32> to vector<1024x1xf32>
    %mul3A_64 = vector.broadcast %slice3A : vector<1024x1xf32> to vector<1024x128xf32>
    %mul3A_65 = arith.mulf %mul3A_64, %add3A_58 : vector<1024x128xf32>
    %add3A_66 = arith.addf %broadcast_in_dim3A_25, %mul3A_65 : vector<1024x128xf32>
    %get3A_67 = arith.constant 1 : index
    %get3A_68 = arith.constant 0 : index
    %get3A_69 = arith.constant 0 : index
    %get3A_70 = vector.load %arg4[%get3A_67, %get3A_68, %get3A_69] : memref<16x256x256xbf16, #tpu.memory_space<vmem>>, vector<1x256x256xbf16>
    %get3A_71 = vector.shape_cast %get3A_70 : vector<1x256x256xbf16> to vector<256x256xbf16>
    %dot_general3A_72 = arith.constant dense<0.000000e+00> : vector<1024x256xf32>
    %dot_general3A_73 = tpu.matmul %convert_element_type3A, %get3A_71, %dot_general3A_72 {dimension_numbers = #tpu.dot_dimension_numbers<[1], [0], [0], [1], [0, 0, 1, 1], [], []>, transpose_lhs_hint = false} : vector<1024x256xbf16>, vector<256x256xbf16>, vector<1024x256xf32> -> vector<1024x256xf32>
    %get3A_74 = arith.constant 0 : index
    %get3A_75 = arith.constant 256 : index
    %get3A_76 = vector.load %arg5[%get3A_74, %get3A_75] : memref<1x4096xf32, #tpu.memory_space<vmem>>, vector<1x256xf32>
    %add3A_77 = vector.broadcast %get3A_76 : vector<1x256xf32> to vector<1024x256xf32>
    %add3A_78 = arith.addf %dot_general3A_73, %add3A_77 : vector<1024x256xf32>
    %convert_element_type3A_79 = arith.truncf %add3A_78 : vector<1024x256xf32> to vector<1024x256xbf16>
    %mul3A_80 = arith.constant 5.000000e-01 : bf16
    %mul3A_81 = vector.broadcast %mul3A_80 : bf16 to vector<1024x256xbf16>
    %mul3A_82 = arith.mulf %mul3A_81, %convert_element_type3A_79 : vector<1024x256xbf16>
    %mul3A_83 = arith.constant 7.070310e-01 : bf16
    %mul3A_84 = vector.broadcast %mul3A_83 : bf16 to vector<1024x256xbf16>
    %mul3A_85 = arith.mulf %convert_element_type3A_79, %mul3A_84 : vector<1024x256xbf16>
    %erf3A_86 = math.erf %mul3A_85 : vector<1024x256xbf16>
    %add3A_87 = arith.constant 1.000000e+00 : bf16
    %add3A_88 = vector.broadcast %add3A_87 : bf16 to vector<1024x256xbf16>
    %add3A_89 = arith.addf %add3A_88, %erf3A_86 : vector<1024x256xbf16>
    %mul3A_90 = arith.mulf %mul3A_82, %add3A_89 : vector<1024x256xbf16>
    %get3A_91 = arith.constant 1 : index
    %get3A_92 = arith.constant 0 : index
    %get3A_93 = arith.constant 0 : index
    %get3A_94 = vector.load %arg6[%get3A_91, %get3A_92, %get3A_93] : memref<16x256x128xbf16, #tpu.memory_space<vmem>>, vector<1x256x128xbf16>
    %get3A_95 = vector.shape_cast %get3A_94 : vector<1x256x128xbf16> to vector<256x128xbf16>
    %dot_general3A_96 = arith.constant dense<0.000000e+00> : vector<1024x128xf32>
    %dot_general3A_97 = tpu.matmul %mul3A_90, %get3A_95, %dot_general3A_96 {dimension_numbers = #tpu.dot_dimension_numbers<[1], [0], [0], [1], [0, 0, 1, 1], [], []>, transpose_lhs_hint = false} : vector<1024x256xbf16>, vector<256x128xbf16>, vector<1024x128xf32> -> vector<1024x128xf32>
    %get3A_98 = arith.constant 0 : index
    %get3A_99 = arith.constant 128 : index
    %get3A_100 = vector.load %arg7[%get3A_98, %get3A_99] : memref<1x2048xf32, #tpu.memory_space<vmem>>, vector<1x128xf32>
    %add3A_101 = vector.broadcast %get3A_100 : vector<1x128xf32> to vector<1024x128xf32>
    %add3A_102 = arith.addf %dot_general3A_97, %add3A_101 : vector<1024x128xf32>
    %swap3A_103 = arith.constant 0 : index
    %swap3A_104 = arith.constant 1 : index
    %swap3A_105 = arith.constant 0 : index
    %swap3A_106 = vector.load %arg9[%swap3A_103, %swap3A_104, %swap3A_105] : memref<1024x16x128xf32, #tpu.memory_space<vmem>>, vector<1024x1x128xf32>
    %swap3A_107 = vector.shape_cast %swap3A_106 : vector<1024x1x128xf32> to vector<1024x128xf32>
    %swap3A_108 = vector.shape_cast %add3A_102 : vector<1024x128xf32> to vector<1024x1x128xf32>
    tpu.vector_store %arg9[%swap3A_103, %swap3A_104, %swap3A_105], %swap3A_108 {strides = array<i32>} : memref<1024x16x128xf32, #tpu.memory_space<vmem>>, vector<1024x1x128xf32>,
    %slice3A_109 = vector.extract_strided_slice %add3A {offsets = [0, 1], sizes = [1024, 1], strides = [1, 1]} : vector<1024x16xf32> to vector<1024x1xf32>
    %mul3A_110 = vector.broadcast %slice3A_109 : vector<1024x1xf32> to vector<1024x128xf32>
    %mul3A_111 = arith.mulf %mul3A_110, %add3A_102 : vector<1024x128xf32>
    %add3A_112 = arith.addf %add3A_66, %mul3A_111 : vector<1024x128xf32>
    %get3A_113 = arith.constant 2 : index
    %get3A_114 = arith.constant 0 : index
    %get3A_115 = arith.constant 0 : index
    %get3A_116 = vector.load %arg4[%get3A_113, %get3A_114, %get3A_115] : memref<16x256x256xbf16, #tpu.memory_space<vmem>>, vector<1x256x256xbf16>
    %get3A_117 = vector.shape_cast %get3A_116 : vector<1x256x256xbf16> to vector<256x256xbf16>
    %dot_general3A_118 = arith.constant dense<0.000000e+00> : vector<1024x256xf32>
    %dot_general3A_119 = tpu.matmul %convert_element_type3A, %get3A_117, %dot_general3A_118 {dimension_numbers = #tpu.dot_dimension_numbers<[1], [0], [0], [1], [0, 0, 1, 1], [], []>, transpose_lhs_hint = false} : vector<1024x256xbf16>, vector<256x256xbf16>, vector<1024x256xf32> -> vector<1024x256xf32>
    %get3A_120 = arith.constant 0 : index
    %get3A_121 = arith.constant 512 : index
    %get3A_122 = vector.load %arg5[%get3A_120, %get3A_121] : memref<1x4096xf32, #tpu.memory_space<vmem>>, vector<1x256xf32>
    %add3A_123 = vector.broadcast %get3A_122 : vector<1x256xf32> to vector<1024x256xf32>
    %add3A_124 = arith.addf %dot_general3A_119, %add3A_123 : vector<1024x256xf32>
    %convert_element_type3A_125 = arith.truncf %add3A_124 : vector<1024x256xf32> to vector<1024x256xbf16>
    %mul3A_126 = arith.constant 5.000000e-01 : bf16
    %mul3A_127 = vector.broadcast %mul3A_126 : bf16 to vector<1024x256xbf16>
    %mul3A_128 = arith.mulf %mul3A_127, %convert_element_type3A_125 : vector<1024x256xbf16>
    %mul3A_129 = arith.constant 7.070310e-01 : bf16
    %mul3A_130 = vector.broadcast %mul3A_129 : bf16 to vector<1024x256xbf16>
    %mul3A_131 = arith.mulf %convert_element_type3A_125, %mul3A_130 : vector<1024x256xbf16>
    %erf3A_132 = math.erf %mul3A_131 : vector<1024x256xbf16>
    %add3A_133 = arith.constant 1.000000e+00 : bf16
    %add3A_134 = vector.broadcast %add3A_133 : bf16 to vector<1024x256xbf16>
    %add3A_135 = arith.addf %add3A_134, %erf3A_132 : vector<1024x256xbf16>
    %mul3A_136 = arith.mulf %mul3A_128, %add3A_135 : vector<1024x256xbf16>
    %get3A_137 = arith.constant 2 : index
    %get3A_138 = arith.constant 0 : index
    %get3A_139 = arith.constant 0 : index
    %get3A_140 = vector.load %arg6[%get3A_137, %get3A_138, %get3A_139] : memref<16x256x128xbf16, #tpu.memory_space<vmem>>, vector<1x256x128xbf16>
    %get3A_141 = vector.shape_cast %get3A_140 : vector<1x256x128xbf16> to vector<256x128xbf16>
    %dot_general3A_142 = arith.constant dense<0.000000e+00> : vector<1024x128xf32>
    %dot_general3A_143 = tpu.matmul %mul3A_136, %get3A_141, %dot_general3A_142 {dimension_numbers = #tpu.dot_dimension_numbers<[1], [0], [0], [1], [0, 0, 1, 1], [], []>, transpose_lhs_hint = false} : vector<1024x256xbf16>, vector<256x128xbf16>, vector<1024x128xf32> -> vector<1024x128xf32>
    %get3A_144 = arith.constant 0 : index
    %get3A_145 = arith.constant 256 : index
    %get3A_146 = vector.load %arg7[%get3A_144, %get3A_145] : memref<1x2048xf32, #tpu.memory_space<vmem>>, vector<1x128xf32>
    %add3A_147 = vector.broadcast %get3A_146 : vector<1x128xf32> to vector<1024x128xf32>
    %add3A_148 = arith.addf %dot_general3A_143, %add3A_147 : vector<1024x128xf32>
    %swap3A_149 = arith.constant 0 : index
    %swap3A_150 = arith.constant 2 : index
    %swap3A_151 = arith.constant 0 : index
    %swap3A_152 = vector.load %arg9[%swap3A_149, %swap3A_150, %swap3A_151] : memref<1024x16x128xf32, #tpu.memory_space<vmem>>, vector<1024x1x128xf32>
    %swap3A_153 = vector.shape_cast %swap3A_152 : vector<1024x1x128xf32> to vector<1024x128xf32>
    %swap3A_154 = vector.shape_cast %add3A_148 : vector<1024x128xf32> to vector<1024x1x128xf32>
    tpu.vector_store %arg9[%swap3A_149, %swap3A_150, %swap3A_151], %swap3A_154 {strides = array<i32>} : memref<1024x16x128xf32, #tpu.memory_space<vmem>>, vector<1024x1x128xf32>,
    %slice3A_155 = vector.extract_strided_slice %add3A {offsets = [0, 2], sizes = [1024, 1], strides = [1, 1]} : vector<1024x16xf32> to vector<1024x1xf32>
    %mul3A_156 = vector.broadcast %slice3A_155 : vector<1024x1xf32> to vector<1024x128xf32>
    %mul3A_157 = arith.mulf %mul3A_156, %add3A_148 : vector<1024x128xf32>
    %add3A_158 = arith.addf %add3A_112, %mul3A_157 : vector<1024x128xf32>
    %get3A_159 = arith.constant 3 : index
    %get3A_160 = arith.constant 0 : index
    %get3A_161 = arith.constant 0 : index
    %get3A_162 = vector.load %arg4[%get3A_159, %get3A_160, %get3A_161] : memref<16x256x256xbf16, #tpu.memory_space<vmem>>, vector<1x256x256xbf16>
    %get3A_163 = vector.shape_cast %get3A_162 : vector<1x256x256xbf16> to vector<256x256xbf16>
    %dot_general3A_164 = arith.constant dense<0.000000e+00> : vector<1024x256xf32>
    %dot_general3A_165 = tpu.matmul %convert_element_type3A, %get3A_163, %dot_general3A_164 {dimension_numbers = #tpu.dot_dimension_numbers<[1], [0], [0], [1], [0, 0, 1, 1], [], []>, transpose_lhs_hint = false} : vector<1024x256xbf16>, vector<256x256xbf16>, vector<1024x256xf32> -> vector<1024x256xf32>
    %get3A_166 = arith.constant 0 : index
    %get3A_167 = arith.constant 768 : index
    %get3A_168 = vector.load %arg5[%get3A_166, %get3A_167] : memref<1x4096xf32, #tpu.memory_space<vmem>>, vector<1x256xf32>
    %add3A_169 = vector.broadcast %get3A_168 : vector<1x256xf32> to vector<1024x256xf32>
    %add3A_170 = arith.addf %dot_general3A_165, %add3A_169 : vector<1024x256xf32>
    %convert_element_type3A_171 = arith.truncf %add3A_170 : vector<1024x256xf32> to vector<1024x256xbf16>
    %mul3A_172 = arith.constant 5.000000e-01 : bf16
    %mul3A_173 = vector.broadcast %mul3A_172 : bf16 to vector<1024x256xbf16>
    %mul3A_174 = arith.mulf %mul3A_173, %convert_element_type3A_171 : vector<1024x256xbf16>
    %mul3A_175 = arith.constant 7.070310e-01 : bf16
    %mul3A_176 = vector.broadcast %mul3A_175 : bf16 to vector<1024x256xbf16>
    %mul3A_177 = arith.mulf %convert_element_type3A_171, %mul3A_176 : vector<1024x256xbf16>
    %erf3A_178 = math.erf %mul3A_177 : vector<1024x256xbf16>
    %add3A_179 = arith.constant 1.000000e+00 : bf16
    %add3A_180 = vector.broadcast %add3A_179 : bf16 to vector<1024x256xbf16>
    %add3A_181 = arith.addf %add3A_180, %erf3A_178 : vector<1024x256xbf16>
    %mul3A_182 = arith.mulf %mul3A_174, %add3A_181 : vector<1024x256xbf16>
    %get3A_183 = arith.constant 3 : index
    %get3A_184 = arith.constant 0 : index
    %get3A_185 = arith.constant 0 : index
    %get3A_186 = vector.load %arg6[%get3A_183, %get3A_184, %get3A_185] : memref<16x256x128xbf16, #tpu.memory_space<vmem>>, vector<1x256x128xbf16>
    %get3A_187 = vector.shape_cast %get3A_186 : vector<1x256x128xbf16> to vector<256x128xbf16>
    %dot_general3A_188 = arith.constant dense<0.000000e+00> : vector<1024x128xf32>
    %dot_general3A_189 = tpu.matmul %mul3A_182, %get3A_187, %dot_general3A_188 {dimension_numbers = #tpu.dot_dimension_numbers<[1], [0], [0], [1], [0, 0, 1, 1], [], []>, transpose_lhs_hint = false} : vector<1024x256xbf16>, vector<256x128xbf16>, vector<1024x128xf32> -> vector<1024x128xf32>
    %get3A_190 = arith.constant 0 : index
    %get3A_191 = arith.constant 384 : index
    %get3A_192 = vector.load %arg7[%get3A_190, %get3A_191] : memref<1x2048xf32, #tpu.memory_space<vmem>>, vector<1x128xf32>
    %add3A_193 = vector.broadcast %get3A_192 : vector<1x128xf32> to vector<1024x128xf32>
    %add3A_194 = arith.addf %dot_general3A_189, %add3A_193 : vector<1024x128xf32>
    %swap3A_195 = arith.constant 0 : index
    %swap3A_196 = arith.constant 3 : index
    %swap3A_197 = arith.constant 0 : index
    %swap3A_198 = vector.load %arg9[%swap3A_195, %swap3A_196, %swap3A_197] : memref<1024x16x128xf32, #tpu.memory_space<vmem>>, vector<1024x1x128xf32>
    %swap3A_199 = vector.shape_cast %swap3A_198 : vector<1024x1x128xf32> to vector<1024x128xf32>
    %swap3A_200 = vector.shape_cast %add3A_194 : vector<1024x128xf32> to vector<1024x1x128xf32>
    tpu.vector_store %arg9[%swap3A_195, %swap3A_196, %swap3A_197], %swap3A_200 {strides = array<i32>} : memref<1024x16x128xf32, #tpu.memory_space<vmem>>, vector<1024x1x128xf32>,
    %slice3A_201 = vector.extract_strided_slice %add3A {offsets = [0, 3], sizes = [1024, 1], strides = [1, 1]} : vector<1024x16xf32> to vector<1024x1xf32>
    %mul3A_202 = vector.broadcast %slice3A_201 : vector<1024x1xf32> to vector<1024x128xf32>
    %mul3A_203 = arith.mulf %mul3A_202, %add3A_194 : vector<1024x128xf32>
    %add3A_204 = arith.addf %add3A_158, %mul3A_203 : vector<1024x128xf32>
    %get3A_205 = arith.constant 4 : index
    %get3A_206 = arith.constant 0 : index
    %get3A_207 = arith.constant 0 : index
    %get3A_208 = vector.load %arg4[%get3A_205, %get3A_206, %get3A_207] : memref<16x256x256xbf16, #tpu.memory_space<vmem>>, vector<1x256x256xbf16>
    %get3A_209 = vector.shape_cast %get3A_208 : vector<1x256x256xbf16> to vector<256x256xbf16>
    %dot_general3A_210 = arith.constant dense<0.000000e+00> : vector<1024x256xf32>
    %dot_general3A_211 = tpu.matmul %convert_element_type3A, %get3A_209, %dot_general3A_210 {dimension_numbers = #tpu.dot_dimension_numbers<[1], [0], [0], [1], [0, 0, 1, 1], [], []>, transpose_lhs_hint = false} : vector<1024x256xbf16>, vector<256x256xbf16>, vector<1024x256xf32> -> vector<1024x256xf32>
    %get3A_212 = arith.constant 0 : index
    %get3A_213 = arith.constant 1024 : index
    %get3A_214 = vector.load %arg5[%get3A_212, %get3A_213] : memref<1x4096xf32, #tpu.memory_space<vmem>>, vector<1x256xf32>
    %add3A_215 = vector.broadcast %get3A_214 : vector<1x256xf32> to vector<1024x256xf32>
    %add3A_216 = arith.addf %dot_general3A_211, %add3A_215 : vector<1024x256xf32>
    %convert_element_type3A_217 = arith.truncf %add3A_216 : vector<1024x256xf32> to vector<1024x256xbf16>
    %mul3A_218 = arith.constant 5.000000e-01 : bf16
    %mul3A_219 = vector.broadcast %mul3A_218 : bf16 to vector<1024x256xbf16>
    %mul3A_220 = arith.mulf %mul3A_219, %convert_element_type3A_217 : vector<1024x256xbf16>
    %mul3A_221 = arith.constant 7.070310e-01 : bf16
    %mul3A_222 = vector.broadcast %mul3A_221 : bf16 to vector<1024x256xbf16>
    %mul3A_223 = arith.mulf %convert_element_type3A_217, %mul3A_222 : vector<1024x256xbf16>
    %erf3A_224 = math.erf %mul3A_223 : vector<1024x256xbf16>
    %add3A_225 = arith.constant 1.000000e+00 : bf16
    %add3A_226 = vector.broadcast %add3A_225 : bf16 to vector<1024x256xbf16>
    %add3A_227 = arith.addf %add3A_226, %erf3A_224 : vector<1024x256xbf16>
    %mul3A_228 = arith.mulf %mul3A_220, %add3A_227 : vector<1024x256xbf16>
    %get3A_229 = arith.constant 4 : index
    %get3A_230 = arith.constant 0 : index
    %get3A_231 = arith.constant 0 : index
    %get3A_232 = vector.load %arg6[%get3A_229, %get3A_230, %get3A_231] : memref<16x256x128xbf16, #tpu.memory_space<vmem>>, vector<1x256x128xbf16>
    %get3A_233 = vector.shape_cast %get3A_232 : vector<1x256x128xbf16> to vector<256x128xbf16>
    %dot_general3A_234 = arith.constant dense<0.000000e+00> : vector<1024x128xf32>
    %dot_general3A_235 = tpu.matmul %mul3A_228, %get3A_233, %dot_general3A_234 {dimension_numbers = #tpu.dot_dimension_numbers<[1], [0], [0], [1], [0, 0, 1, 1], [], []>, transpose_lhs_hint = false} : vector<1024x256xbf16>, vector<256x128xbf16>, vector<1024x128xf32> -> vector<1024x128xf32>
    %get3A_236 = arith.constant 0 : index
    %get3A_237 = arith.constant 512 : index
    %get3A_238 = vector.load %arg7[%get3A_236, %get3A_237] : memref<1x2048xf32, #tpu.memory_space<vmem>>, vector<1x128xf32>
    %add3A_239 = vector.broadcast %get3A_238 : vector<1x128xf32> to vector<1024x128xf32>
    %add3A_240 = arith.addf %dot_general3A_235, %add3A_239 : vector<1024x128xf32>
    %swap3A_241 = arith.constant 0 : index
    %swap3A_242 = arith.constant 4 : index
    %swap3A_243 = arith.constant 0 : index
    %swap3A_244 = vector.load %arg9[%swap3A_241, %swap3A_242, %swap3A_243] : memref<1024x16x128xf32, #tpu.memory_space<vmem>>, vector<1024x1x128xf32>
    %swap3A_245 = vector.shape_cast %swap3A_244 : vector<1024x1x128xf32> to vector<1024x128xf32>
    %swap3A_246 = vector.shape_cast %add3A_240 : vector<1024x128xf32> to vector<1024x1x128xf32>
    tpu.vector_store %arg9[%swap3A_241, %swap3A_242, %swap3A_243], %swap3A_246 {strides = array<i32>} : memref<1024x16x128xf32, #tpu.memory_space<vmem>>, vector<1024x1x128xf32>,
    %slice3A_247 = vector.extract_strided_slice %add3A {offsets = [0, 4], sizes = [1024, 1], strides = [1, 1]} : vector<1024x16xf32> to vector<1024x1xf32>
    %mul3A_248 = vector.broadcast %slice3A_247 : vector<1024x1xf32> to vector<1024x128xf32>
    %mul3A_249 = arith.mulf %mul3A_248, %add3A_240 : vector<1024x128xf32>
    %add3A_250 = arith.addf %add3A_204, %mul3A_249 : vector<1024x128xf32>
    %get3A_251 = arith.constant 5 : index
    %get3A_252 = arith.constant 0 : index
    %get3A_253 = arith.constant 0 : index
    %get3A_254 = vector.load %arg4[%get3A_251, %get3A_252, %get3A_253] : memref<16x256x256xbf16, #tpu.memory_space<vmem>>, vector<1x256x256xbf16>
    %get3A_255 = vector.shape_cast %get3A_254 : vector<1x256x256xbf16> to vector<256x256xbf16>
    %dot_general3A_256 = arith.constant dense<0.000000e+00> : vector<1024x256xf32>
    %dot_general3A_257 = tpu.matmul %convert_element_type3A, %get3A_255, %dot_general3A_256 {dimension_numbers = #tpu.dot_dimension_numbers<[1], [0], [0], [1], [0, 0, 1, 1], [], []>, transpose_lhs_hint = false} : vector<1024x256xbf16>, vector<256x256xbf16>, vector<1024x256xf32> -> vector<1024x256xf32>
    %get3A_258 = arith.constant 0 : index
    %get3A_259 = arith.constant 1280 : index
    %get3A_260 = vector.load %arg5[%get3A_258, %get3A_259] : memref<1x4096xf32, #tpu.memory_space<vmem>>, vector<1x256xf32>
    %add3A_261 = vector.broadcast %get3A_260 : vector<1x256xf32> to vector<1024x256xf32>
    %add3A_262 = arith.addf %dot_general3A_257, %add3A_261 : vector<1024x256xf32>
    %convert_element_type3A_263 = arith.truncf %add3A_262 : vector<1024x256xf32> to vector<1024x256xbf16>
    %mul3A_264 = arith.constant 5.000000e-01 : bf16
    %mul3A_265 = vector.broadcast %mul3A_264 : bf16 to vector<1024x256xbf16>
    %mul3A_266 = arith.mulf %mul3A_265, %convert_element_type3A_263 : vector<1024x256xbf16>
    %mul3A_267 = arith.constant 7.070310e-01 : bf16
    %mul3A_268 = vector.broadcast %mul3A_267 : bf16 to vector<1024x256xbf16>
    %mul3A_269 = arith.mulf %convert_element_type3A_263, %mul3A_268 : vector<1024x256xbf16>
    %erf3A_270 = math.erf %mul3A_269 : vector<1024x256xbf16>
    %add3A_271 = arith.constant 1.000000e+00 : bf16
    %add3A_272 = vector.broadcast %add3A_271 : bf16 to vector<1024x256xbf16>
    %add3A_273 = arith.addf %add3A_272, %erf3A_270 : vector<1024x256xbf16>
    %mul3A_274 = arith.mulf %mul3A_266, %add3A_273 : vector<1024x256xbf16>
    %get3A_275 = arith.constant 5 : index
    %get3A_276 = arith.constant 0 : index
    %get3A_277 = arith.constant 0 : index
    %get3A_278 = vector.load %arg6[%get3A_275, %get3A_276, %get3A_277] : memref<16x256x128xbf16, #tpu.memory_space<vmem>>, vector<1x256x128xbf16>
    %get3A_279 = vector.shape_cast %get3A_278 : vector<1x256x128xbf16> to vector<256x128xbf16>
    %dot_general3A_280 = arith.constant dense<0.000000e+00> : vector<1024x128xf32>
    %dot_general3A_281 = tpu.matmul %mul3A_274, %get3A_279, %dot_general3A_280 {dimension_numbers = #tpu.dot_dimension_numbers<[1], [0], [0], [1], [0, 0, 1, 1], [], []>, transpose_lhs_hint = false} : vector<1024x256xbf16>, vector<256x128xbf16>, vector<1024x128xf32> -> vector<1024x128xf32>
    %get3A_282 = arith.constant 0 : index
    %get3A_283 = arith.constant 640 : index
    %get3A_284 = vector.load %arg7[%get3A_282, %get3A_283] : memref<1x2048xf32, #tpu.memory_space<vmem>>, vector<1x128xf32>
    %add3A_285 = vector.broadcast %get3A_284 : vector<1x128xf32> to vector<1024x128xf32>
    %add3A_286 = arith.addf %dot_general3A_281, %add3A_285 : vector<1024x128xf32>
    %swap3A_287 = arith.constant 0 : index
    %swap3A_288 = arith.constant 5 : index
    %swap3A_289 = arith.constant 0 : index
    %swap3A_290 = vector.load %arg9[%swap3A_287, %swap3A_288, %swap3A_289] : memref<1024x16x128xf32, #tpu.memory_space<vmem>>, vector<1024x1x128xf32>
    %swap3A_291 = vector.shape_cast %swap3A_290 : vector<1024x1x128xf32> to vector<1024x128xf32>
    %swap3A_292 = vector.shape_cast %add3A_286 : vector<1024x128xf32> to vector<1024x1x128xf32>
    tpu.vector_store %arg9[%swap3A_287, %swap3A_288, %swap3A_289], %swap3A_292 {strides = array<i32>} : memref<1024x16x128xf32, #tpu.memory_space<vmem>>, vector<1024x1x128xf32>,
    %slice3A_293 = vector.extract_strided_slice %add3A {offsets = [0, 5], sizes = [1024, 1], strides = [1, 1]} : vector<1024x16xf32> to vector<1024x1xf32>
    %mul3A_294 = vector.broadcast %slice3A_293 : vector<1024x1xf32> to vector<1024x128xf32>
    %mul3A_295 = arith.mulf %mul3A_294, %add3A_286 : vector<1024x128xf32>
    %add3A_296 = arith.addf %add3A_250, %mul3A_295 : vector<1024x128xf32>
    %get3A_297 = arith.constant 6 : index
    %get3A_298 = arith.constant 0 : index
    %get3A_299 = arith.constant 0 : index
    %get3A_300 = vector.load %arg4[%get3A_297, %get3A_298, %get3A_299] : memref<16x256x256xbf16, #tpu.memory_space<vmem>>, vector<1x256x256xbf16>
    %get3A_301 = vector.shape_cast %get3A_300 : vector<1x256x256xbf16> to vector<256x256xbf16>
    %dot_general3A_302 = arith.constant dense<0.000000e+00> : vector<1024x256xf32>
    %dot_general3A_303 = tpu.matmul %convert_element_type3A, %get3A_301, %dot_general3A_302 {dimension_numbers = #tpu.dot_dimension_numbers<[1], [0], [0], [1], [0, 0, 1, 1], [], []>, transpose_lhs_hint = false} : vector<1024x256xbf16>, vector<256x256xbf16>, vector<1024x256xf32> -> vector<1024x256xf32>
    %get3A_304 = arith.constant 0 : index
    %get3A_305 = arith.constant 1536 : index
    %get3A_306 = vector.load %arg5[%get3A_304, %get3A_305] : memref<1x4096xf32, #tpu.memory_space<vmem>>, vector<1x256xf32>
    %add3A_307 = vector.broadcast %get3A_306 : vector<1x256xf32> to vector<1024x256xf32>
    %add3A_308 = arith.addf %dot_general3A_303, %add3A_307 : vector<1024x256xf32>
    %convert_element_type3A_309 = arith.truncf %add3A_308 : vector<1024x256xf32> to vector<1024x256xbf16>
    %mul3A_310 = arith.constant 5.000000e-01 : bf16
    %mul3A_311 = vector.broadcast %mul3A_310 : bf16 to vector<1024x256xbf16>
    %mul3A_312 = arith.mulf %mul3A_311, %convert_element_type3A_309 : vector<1024x256xbf16>
    %mul3A_313 = arith.constant 7.070310e-01 : bf16
    %mul3A_314 = vector.broadcast %mul3A_313 : bf16 to vector<1024x256xbf16>
    %mul3A_315 = arith.mulf %convert_element_type3A_309, %mul3A_314 : vector<1024x256xbf16>
    %erf3A_316 = math.erf %mul3A_315 : vector<1024x256xbf16>
    %add3A_317 = arith.constant 1.000000e+00 : bf16
    %add3A_318 = vector.broadcast %add3A_317 : bf16 to vector<1024x256xbf16>
    %add3A_319 = arith.addf %add3A_318, %erf3A_316 : vector<1024x256xbf16>
    %mul3A_320 = arith.mulf %mul3A_312, %add3A_319 : vector<1024x256xbf16>
    %get3A_321 = arith.constant 6 : index
    %get3A_322 = arith.constant 0 : index
    %get3A_323 = arith.constant 0 : index
    %get3A_324 = vector.load %arg6[%get3A_321, %get3A_322, %get3A_323] : memref<16x256x128xbf16, #tpu.memory_space<vmem>>, vector<1x256x128xbf16>
    %get3A_325 = vector.shape_cast %get3A_324 : vector<1x256x128xbf16> to vector<256x128xbf16>
    %dot_general3A_326 = arith.constant dense<0.000000e+00> : vector<1024x128xf32>
    %dot_general3A_327 = tpu.matmul %mul3A_320, %get3A_325, %dot_general3A_326 {dimension_numbers = #tpu.dot_dimension_numbers<[1], [0], [0], [1], [0, 0, 1, 1], [], []>, transpose_lhs_hint = false} : vector<1024x256xbf16>, vector<256x128xbf16>, vector<1024x128xf32> -> vector<1024x128xf32>
    %get3A_328 = arith.constant 0 : index
    %get3A_329 = arith.constant 768 : index
    %get3A_330 = vector.load %arg7[%get3A_328, %get3A_329] : memref<1x2048xf32, #tpu.memory_space<vmem>>, vector<1x128xf32>
    %add3A_331 = vector.broadcast %get3A_330 : vector<1x128xf32> to vector<1024x128xf32>
    %add3A_332 = arith.addf %dot_general3A_327, %add3A_331 : vector<1024x128xf32>
    %swap3A_333 = arith.constant 0 : index
    %swap3A_334 = arith.constant 6 : index
    %swap3A_335 = arith.constant 0 : index
    %swap3A_336 = vector.load %arg9[%swap3A_333, %swap3A_334, %swap3A_335] : memref<1024x16x128xf32, #tpu.memory_space<vmem>>, vector<1024x1x128xf32>
    %swap3A_337 = vector.shape_cast %swap3A_336 : vector<1024x1x128xf32> to vector<1024x128xf32>
    %swap3A_338 = vector.shape_cast %add3A_332 : vector<1024x128xf32> to vector<1024x1x128xf32>
    tpu.vector_store %arg9[%swap3A_333, %swap3A_334, %swap3A_335], %swap3A_338 {strides = array<i32>} : memref<1024x16x128xf32, #tpu.memory_space<vmem>>, vector<1024x1x128xf32>,
    %slice3A_339 = vector.extract_strided_slice %add3A {offsets = [0, 6], sizes = [1024, 1], strides = [1, 1]} : vector<1024x16xf32> to vector<1024x1xf32>
    %mul3A_340 = vector.broadcast %slice3A_339 : vector<1024x1xf32> to vector<1024x128xf32>
    %mul3A_341 = arith.mulf %mul3A_340, %add3A_332 : vector<1024x128xf32>
    %add3A_342 = arith.addf %add3A_296, %mul3A_341 : vector<1024x128xf32>
    %get3A_343 = arith.constant 7 : index
    %get3A_344 = arith.constant 0 : index
    %get3A_345 = arith.constant 0 : index
    %get3A_346 = vector.load %arg4[%get3A_343, %get3A_344, %get3A_345] : memref<16x256x256xbf16, #tpu.memory_space<vmem>>, vector<1x256x256xbf16>
    %get3A_347 = vector.shape_cast %get3A_346 : vector<1x256x256xbf16> to vector<256x256xbf16>
    %dot_general3A_348 = arith.constant dense<0.000000e+00> : vector<1024x256xf32>
    %dot_general3A_349 = tpu.matmul %convert_element_type3A, %get3A_347, %dot_general3A_348 {dimension_numbers = #tpu.dot_dimension_numbers<[1], [0], [0], [1], [0, 0, 1, 1], [], []>, transpose_lhs_hint = false} : vector<1024x256xbf16>, vector<256x256xbf16>, vector<1024x256xf32> -> vector<1024x256xf32>
    %get3A_350 = arith.constant 0 : index
    %get3A_351 = arith.constant 1792 : index
    %get3A_352 = vector.load %arg5[%get3A_350, %get3A_351] : memref<1x4096xf32, #tpu.memory_space<vmem>>, vector<1x256xf32>
    %add3A_353 = vector.broadcast %get3A_352 : vector<1x256xf32> to vector<1024x256xf32>
    %add3A_354 = arith.addf %dot_general3A_349, %add3A_353 : vector<1024x256xf32>
    %convert_element_type3A_355 = arith.truncf %add3A_354 : vector<1024x256xf32> to vector<1024x256xbf16>
    %mul3A_356 = arith.constant 5.000000e-01 : bf16
    %mul3A_357 = vector.broadcast %mul3A_356 : bf16 to vector<1024x256xbf16>
    %mul3A_358 = arith.mulf %mul3A_357, %convert_element_type3A_355 : vector<1024x256xbf16>
    %mul3A_359 = arith.constant 7.070310e-01 : bf16
    %mul3A_360 = vector.broadcast %mul3A_359 : bf16 to vector<1024x256xbf16>
    %mul3A_361 = arith.mulf %convert_element_type3A_355, %mul3A_360 : vector<1024x256xbf16>
    %erf3A_362 = math.erf %mul3A_361 : vector<1024x256xbf16>
    %add3A_363 = arith.constant 1.000000e+00 : bf16
    %add3A_364 = vector.broadcast %add3A_363 : bf16 to vector<1024x256xbf16>
    %add3A_365 = arith.addf %add3A_364, %erf3A_362 : vector<1024x256xbf16>
    %mul3A_366 = arith.mulf %mul3A_358, %add3A_365 : vector<1024x256xbf16>
    %get3A_367 = arith.constant 7 : index
    %get3A_368 = arith.constant 0 : index
    %get3A_369 = arith.constant 0 : index
    %get3A_370 = vector.load %arg6[%get3A_367, %get3A_368, %get3A_369] : memref<16x256x128xbf16, #tpu.memory_space<vmem>>, vector<1x256x128xbf16>
    %get3A_371 = vector.shape_cast %get3A_370 : vector<1x256x128xbf16> to vector<256x128xbf16>
    %dot_general3A_372 = arith.constant dense<0.000000e+00> : vector<1024x128xf32>
    %dot_general3A_373 = tpu.matmul %mul3A_366, %get3A_371, %dot_general3A_372 {dimension_numbers = #tpu.dot_dimension_numbers<[1], [0], [0], [1], [0, 0, 1, 1], [], []>, transpose_lhs_hint = false} : vector<1024x256xbf16>, vector<256x128xbf16>, vector<1024x128xf32> -> vector<1024x128xf32>
    %get3A_374 = arith.constant 0 : index
    %get3A_375 = arith.constant 896 : index
    %get3A_376 = vector.load %arg7[%get3A_374, %get3A_375] : memref<1x2048xf32, #tpu.memory_space<vmem>>, vector<1x128xf32>
    %add3A_377 = vector.broadcast %get3A_376 : vector<1x128xf32> to vector<1024x128xf32>
    %add3A_378 = arith.addf %dot_general3A_373, %add3A_377 : vector<1024x128xf32>
    %swap3A_379 = arith.constant 0 : index
    %swap3A_380 = arith.constant 7 : index
    %swap3A_381 = arith.constant 0 : index
    %swap3A_382 = vector.load %arg9[%swap3A_379, %swap3A_380, %swap3A_381] : memref<1024x16x128xf32, #tpu.memory_space<vmem>>, vector<1024x1x128xf32>
    %swap3A_383 = vector.shape_cast %swap3A_382 : vector<1024x1x128xf32> to vector<1024x128xf32>
    %swap3A_384 = vector.shape_cast %add3A_378 : vector<1024x128xf32> to vector<1024x1x128xf32>
    tpu.vector_store %arg9[%swap3A_379, %swap3A_380, %swap3A_381], %swap3A_384 {strides = array<i32>} : memref<1024x16x128xf32, #tpu.memory_space<vmem>>, vector<1024x1x128xf32>,
    %slice3A_385 = vector.extract_strided_slice %add3A {offsets = [0, 7], sizes = [1024, 1], strides = [1, 1]} : vector<1024x16xf32> to vector<1024x1xf32>
    %mul3A_386 = vector.broadcast %slice3A_385 : vector<1024x1xf32> to vector<1024x128xf32>
    %mul3A_387 = arith.mulf %mul3A_386, %add3A_378 : vector<1024x128xf32>
    %add3A_388 = arith.addf %add3A_342, %mul3A_387 : vector<1024x128xf32>
    %get3A_389 = arith.constant 8 : index
    %get3A_390 = arith.constant 0 : index
    %get3A_391 = arith.constant 0 : index
    %get3A_392 = vector.load %arg4[%get3A_389, %get3A_390, %get3A_391] : memref<16x256x256xbf16, #tpu.memory_space<vmem>>, vector<1x256x256xbf16>
    %get3A_393 = vector.shape_cast %get3A_392 : vector<1x256x256xbf16> to vector<256x256xbf16>
    %dot_general3A_394 = arith.constant dense<0.000000e+00> : vector<1024x256xf32>
    %dot_general3A_395 = tpu.matmul %convert_element_type3A, %get3A_393, %dot_general3A_394 {dimension_numbers = #tpu.dot_dimension_numbers<[1], [0], [0], [1], [0, 0, 1, 1], [], []>, transpose_lhs_hint = false} : vector<1024x256xbf16>, vector<256x256xbf16>, vector<1024x256xf32> -> vector<1024x256xf32>
    %get3A_396 = arith.constant 0 : index
    %get3A_397 = arith.constant 2048 : index
    %get3A_398 = vector.load %arg5[%get3A_396, %get3A_397] : memref<1x4096xf32, #tpu.memory_space<vmem>>, vector<1x256xf32>
    %add3A_399 = vector.broadcast %get3A_398 : vector<1x256xf32> to vector<1024x256xf32>
    %add3A_400 = arith.addf %dot_general3A_395, %add3A_399 : vector<1024x256xf32>
    %convert_element_type3A_401 = arith.truncf %add3A_400 : vector<1024x256xf32> to vector<1024x256xbf16>
    %mul3A_402 = arith.constant 5.000000e-01 : bf16
    %mul3A_403 = vector.broadcast %mul3A_402 : bf16 to vector<1024x256xbf16>
    %mul3A_404 = arith.mulf %mul3A_403, %convert_element_type3A_401 : vector<1024x256xbf16>
    %mul3A_405 = arith.constant 7.070310e-01 : bf16
    %mul3A_406 = vector.broadcast %mul3A_405 : bf16 to vector<1024x256xbf16>
    %mul3A_407 = arith.mulf %convert_element_type3A_401, %mul3A_406 : vector<1024x256xbf16>
    %erf3A_408 = math.erf %mul3A_407 : vector<1024x256xbf16>
    %add3A_409 = arith.constant 1.000000e+00 : bf16
    %add3A_410 = vector.broadcast %add3A_409 : bf16 to vector<1024x256xbf16>
    %add3A_411 = arith.addf %add3A_410, %erf3A_408 : vector<1024x256xbf16>
    %mul3A_412 = arith.mulf %mul3A_404, %add3A_411 : vector<1024x256xbf16>
    %get3A_413 = arith.constant 8 : index
    %get3A_414 = arith.constant 0 : index
    %get3A_415 = arith.constant 0 : index
    %get3A_416 = vector.load %arg6[%get3A_413, %get3A_414, %get3A_415] : memref<16x256x128xbf16, #tpu.memory_space<vmem>>, vector<1x256x128xbf16>
    %get3A_417 = vector.shape_cast %get3A_416 : vector<1x256x128xbf16> to vector<256x128xbf16>
    %dot_general3A_418 = arith.constant dense<0.000000e+00> : vector<1024x128xf32>
    %dot_general3A_419 = tpu.matmul %mul3A_412, %get3A_417, %dot_general3A_418 {dimension_numbers = #tpu.dot_dimension_numbers<[1], [0], [0], [1], [0, 0, 1, 1], [], []>, transpose_lhs_hint = false} : vector<1024x256xbf16>, vector<256x128xbf16>, vector<1024x128xf32> -> vector<1024x128xf32>
    %get3A_420 = arith.constant 0 : index
    %get3A_421 = arith.constant 1024 : index
    %get3A_422 = vector.load %arg7[%get3A_420, %get3A_421] : memref<1x2048xf32, #tpu.memory_space<vmem>>, vector<1x128xf32>
    %add3A_423 = vector.broadcast %get3A_422 : vector<1x128xf32> to vector<1024x128xf32>
    %add3A_424 = arith.addf %dot_general3A_419, %add3A_423 : vector<1024x128xf32>
    %swap3A_425 = arith.constant 0 : index
    %swap3A_426 = arith.constant 8 : index
    %swap3A_427 = arith.constant 0 : index
    %swap3A_428 = vector.load %arg9[%swap3A_425, %swap3A_426, %swap3A_427] : memref<1024x16x128xf32, #tpu.memory_space<vmem>>, vector<1024x1x128xf32>
    %swap3A_429 = vector.shape_cast %swap3A_428 : vector<1024x1x128xf32> to vector<1024x128xf32>
    %swap3A_430 = vector.shape_cast %add3A_424 : vector<1024x128xf32> to vector<1024x1x128xf32>
    tpu.vector_store %arg9[%swap3A_425, %swap3A_426, %swap3A_427], %swap3A_430 {strides = array<i32>} : memref<1024x16x128xf32, #tpu.memory_space<vmem>>, vector<1024x1x128xf32>,
    %slice3A_431 = vector.extract_strided_slice %add3A {offsets = [0, 8], sizes = [1024, 1], strides = [1, 1]} : vector<1024x16xf32> to vector<1024x1xf32>
    %mul3A_432 = vector.broadcast %slice3A_431 : vector<1024x1xf32> to vector<1024x128xf32>
    %mul3A_433 = arith.mulf %mul3A_432, %add3A_424 : vector<1024x128xf32>
    %add3A_434 = arith.addf %add3A_388, %mul3A_433 : vector<1024x128xf32>
    %get3A_435 = arith.constant 9 : index
    %get3A_436 = arith.constant 0 : index
    %get3A_437 = arith.constant 0 : index
    %get3A_438 = vector.load %arg4[%get3A_435, %get3A_436, %get3A_437] : memref<16x256x256xbf16, #tpu.memory_space<vmem>>, vector<1x256x256xbf16>
    %get3A_439 = vector.shape_cast %get3A_438 : vector<1x256x256xbf16> to vector<256x256xbf16>
    %dot_general3A_440 = arith.constant dense<0.000000e+00> : vector<1024x256xf32>
    %dot_general3A_441 = tpu.matmul %convert_element_type3A, %get3A_439, %dot_general3A_440 {dimension_numbers = #tpu.dot_dimension_numbers<[1], [0], [0], [1], [0, 0, 1, 1], [], []>, transpose_lhs_hint = false} : vector<1024x256xbf16>, vector<256x256xbf16>, vector<1024x256xf32> -> vector<1024x256xf32>
    %get3A_442 = arith.constant 0 : index
    %get3A_443 = arith.constant 2304 : index
    %get3A_444 = vector.load %arg5[%get3A_442, %get3A_443] : memref<1x4096xf32, #tpu.memory_space<vmem>>, vector<1x256xf32>
    %add3A_445 = vector.broadcast %get3A_444 : vector<1x256xf32> to vector<1024x256xf32>
    %add3A_446 = arith.addf %dot_general3A_441, %add3A_445 : vector<1024x256xf32>
    %convert_element_type3A_447 = arith.truncf %add3A_446 : vector<1024x256xf32> to vector<1024x256xbf16>
    %mul3A_448 = arith.constant 5.000000e-01 : bf16
    %mul3A_449 = vector.broadcast %mul3A_448 : bf16 to vector<1024x256xbf16>
    %mul3A_450 = arith.mulf %mul3A_449, %convert_element_type3A_447 : vector<1024x256xbf16>
    %mul3A_451 = arith.constant 7.070310e-01 : bf16
    %mul3A_452 = vector.broadcast %mul3A_451 : bf16 to vector<1024x256xbf16>
    %mul3A_453 = arith.mulf %convert_element_type3A_447, %mul3A_452 : vector<1024x256xbf16>
    %erf3A_454 = math.erf %mul3A_453 : vector<1024x256xbf16>
    %add3A_455 = arith.constant 1.000000e+00 : bf16
    %add3A_456 = vector.broadcast %add3A_455 : bf16 to vector<1024x256xbf16>
    %add3A_457 = arith.addf %add3A_456, %erf3A_454 : vector<1024x256xbf16>
    %mul3A_458 = arith.mulf %mul3A_450, %add3A_457 : vector<1024x256xbf16>
    %get3A_459 = arith.constant 9 : index
    %get3A_460 = arith.constant 0 : index
    %get3A_461 = arith.constant 0 : index
    %get3A_462 = vector.load %arg6[%get3A_459, %get3A_460, %get3A_461] : memref<16x256x128xbf16, #tpu.memory_space<vmem>>, vector<1x256x128xbf16>
    %get3A_463 = vector.shape_cast %get3A_462 : vector<1x256x128xbf16> to vector<256x128xbf16>
    %dot_general3A_464 = arith.constant dense<0.000000e+00> : vector<1024x128xf32>
    %dot_general3A_465 = tpu.matmul %mul3A_458, %get3A_463, %dot_general3A_464 {dimension_numbers = #tpu.dot_dimension_numbers<[1], [0], [0], [1], [0, 0, 1, 1], [], []>, transpose_lhs_hint = false} : vector<1024x256xbf16>, vector<256x128xbf16>, vector<1024x128xf32> -> vector<1024x128xf32>
    %get3A_466 = arith.constant 0 : index
    %get3A_467 = arith.constant 1152 : index
    %get3A_468 = vector.load %arg7[%get3A_466, %get3A_467] : memref<1x2048xf32, #tpu.memory_space<vmem>>, vector<1x128xf32>
    %add3A_469 = vector.broadcast %get3A_468 : vector<1x128xf32> to vector<1024x128xf32>
    %add3A_470 = arith.addf %dot_general3A_465, %add3A_469 : vector<1024x128xf32>
    %swap3A_471 = arith.constant 0 : index
    %swap3A_472 = arith.constant 9 : index
    %swap3A_473 = arith.constant 0 : index
    %swap3A_474 = vector.load %arg9[%swap3A_471, %swap3A_472, %swap3A_473] : memref<1024x16x128xf32, #tpu.memory_space<vmem>>, vector<1024x1x128xf32>
    %swap3A_475 = vector.shape_cast %swap3A_474 : vector<1024x1x128xf32> to vector<1024x128xf32>
    %swap3A_476 = vector.shape_cast %add3A_470 : vector<1024x128xf32> to vector<1024x1x128xf32>
    tpu.vector_store %arg9[%swap3A_471, %swap3A_472, %swap3A_473], %swap3A_476 {strides = array<i32>} : memref<1024x16x128xf32, #tpu.memory_space<vmem>>, vector<1024x1x128xf32>,
    %slice3A_477 = vector.extract_strided_slice %add3A {offsets = [0, 9], sizes = [1024, 1], strides = [1, 1]} : vector<1024x16xf32> to vector<1024x1xf32>
    %mul3A_478 = vector.broadcast %slice3A_477 : vector<1024x1xf32> to vector<1024x128xf32>
    %mul3A_479 = arith.mulf %mul3A_478, %add3A_470 : vector<1024x128xf32>
    %add3A_480 = arith.addf %add3A_434, %mul3A_479 : vector<1024x128xf32>
    %get3A_481 = arith.constant 10 : index
    %get3A_482 = arith.constant 0 : index
    %get3A_483 = arith.constant 0 : index
    %get3A_484 = vector.load %arg4[%get3A_481, %get3A_482, %get3A_483] : memref<16x256x256xbf16, #tpu.memory_space<vmem>>, vector<1x256x256xbf16>
    %get3A_485 = vector.shape_cast %get3A_484 : vector<1x256x256xbf16> to vector<256x256xbf16>
    %dot_general3A_486 = arith.constant dense<0.000000e+00> : vector<1024x256xf32>
    %dot_general3A_487 = tpu.matmul %convert_element_type3A, %get3A_485, %dot_general3A_486 {dimension_numbers = #tpu.dot_dimension_numbers<[1], [0], [0], [1], [0, 0, 1, 1], [], []>, transpose_lhs_hint = false} : vector<1024x256xbf16>, vector<256x256xbf16>, vector<1024x256xf32> -> vector<1024x256xf32>
    %get3A_488 = arith.constant 0 : index
    %get3A_489 = arith.constant 2560 : index
    %get3A_490 = vector.load %arg5[%get3A_488, %get3A_489] : memref<1x4096xf32, #tpu.memory_space<vmem>>, vector<1x256xf32>
    %add3A_491 = vector.broadcast %get3A_490 : vector<1x256xf32> to vector<1024x256xf32>
    %add3A_492 = arith.addf %dot_general3A_487, %add3A_491 : vector<1024x256xf32>
    %convert_element_type3A_493 = arith.truncf %add3A_492 : vector<1024x256xf32> to vector<1024x256xbf16>
    %mul3A_494 = arith.constant 5.000000e-01 : bf16
    %mul3A_495 = vector.broadcast %mul3A_494 : bf16 to vector<1024x256xbf16>
    %mul3A_496 = arith.mulf %mul3A_495, %convert_element_type3A_493 : vector<1024x256xbf16>
    %mul3A_497 = arith.constant 7.070310e-01 : bf16
    %mul3A_498 = vector.broadcast %mul3A_497 : bf16 to vector<1024x256xbf16>
    %mul3A_499 = arith.mulf %convert_element_type3A_493, %mul3A_498 : vector<1024x256xbf16>
    %erf3A_500 = math.erf %mul3A_499 : vector<1024x256xbf16>
    %add3A_501 = arith.constant 1.000000e+00 : bf16
    %add3A_502 = vector.broadcast %add3A_501 : bf16 to vector<1024x256xbf16>
    %add3A_503 = arith.addf %add3A_502, %erf3A_500 : vector<1024x256xbf16>
    %mul3A_504 = arith.mulf %mul3A_496, %add3A_503 : vector<1024x256xbf16>
    %get3A_505 = arith.constant 10 : index
    %get3A_506 = arith.constant 0 : index
    %get3A_507 = arith.constant 0 : index
    %get3A_508 = vector.load %arg6[%get3A_505, %get3A_506, %get3A_507] : memref<16x256x128xbf16, #tpu.memory_space<vmem>>, vector<1x256x128xbf16>
    %get3A_509 = vector.shape_cast %get3A_508 : vector<1x256x128xbf16> to vector<256x128xbf16>
    %dot_general3A_510 = arith.constant dense<0.000000e+00> : vector<1024x128xf32>
    %dot_general3A_511 = tpu.matmul %mul3A_504, %get3A_509, %dot_general3A_510 {dimension_numbers = #tpu.dot_dimension_numbers<[1], [0], [0], [1], [0, 0, 1, 1], [], []>, transpose_lhs_hint = false} : vector<1024x256xbf16>, vector<256x128xbf16>, vector<1024x128xf32> -> vector<1024x128xf32>
    %get3A_512 = arith.constant 0 : index
    %get3A_513 = arith.constant 1280 : index
    %get3A_514 = vector.load %arg7[%get3A_512, %get3A_513] : memref<1x2048xf32, #tpu.memory_space<vmem>>, vector<1x128xf32>
    %add3A_515 = vector.broadcast %get3A_514 : vector<1x128xf32> to vector<1024x128xf32>
    %add3A_516 = arith.addf %dot_general3A_511, %add3A_515 : vector<1024x128xf32>
    %swap3A_517 = arith.constant 0 : index
    %swap3A_518 = arith.constant 10 : index
    %swap3A_519 = arith.constant 0 : index
    %swap3A_520 = vector.load %arg9[%swap3A_517, %swap3A_518, %swap3A_519] : memref<1024x16x128xf32, #tpu.memory_space<vmem>>, vector<1024x1x128xf32>
    %swap3A_521 = vector.shape_cast %swap3A_520 : vector<1024x1x128xf32> to vector<1024x128xf32>
    %swap3A_522 = vector.shape_cast %add3A_516 : vector<1024x128xf32> to vector<1024x1x128xf32>
    tpu.vector_store %arg9[%swap3A_517, %swap3A_518, %swap3A_519], %swap3A_522 {strides = array<i32>} : memref<1024x16x128xf32, #tpu.memory_space<vmem>>, vector<1024x1x128xf32>,
    %slice3A_523 = vector.extract_strided_slice %add3A {offsets = [0, 10], sizes = [1024, 1], strides = [1, 1]} : vector<1024x16xf32> to vector<1024x1xf32>
    %mul3A_524 = vector.broadcast %slice3A_523 : vector<1024x1xf32> to vector<1024x128xf32>
    %mul3A_525 = arith.mulf %mul3A_524, %add3A_516 : vector<1024x128xf32>
    %add3A_526 = arith.addf %add3A_480, %mul3A_525 : vector<1024x128xf32>
    %get3A_527 = arith.constant 11 : index
    %get3A_528 = arith.constant 0 : index
    %get3A_529 = arith.constant 0 : index
    %get3A_530 = vector.load %arg4[%get3A_527, %get3A_528, %get3A_529] : memref<16x256x256xbf16, #tpu.memory_space<vmem>>, vector<1x256x256xbf16>
    %get3A_531 = vector.shape_cast %get3A_530 : vector<1x256x256xbf16> to vector<256x256xbf16>
    %dot_general3A_532 = arith.constant dense<0.000000e+00> : vector<1024x256xf32>
    %dot_general3A_533 = tpu.matmul %convert_element_type3A, %get3A_531, %dot_general3A_532 {dimension_numbers = #tpu.dot_dimension_numbers<[1], [0], [0], [1], [0, 0, 1, 1], [], []>, transpose_lhs_hint = false} : vector<1024x256xbf16>, vector<256x256xbf16>, vector<1024x256xf32> -> vector<1024x256xf32>
    %get3A_534 = arith.constant 0 : index
    %get3A_535 = arith.constant 2816 : index
    %get3A_536 = vector.load %arg5[%get3A_534, %get3A_535] : memref<1x4096xf32, #tpu.memory_space<vmem>>, vector<1x256xf32>
    %add3A_537 = vector.broadcast %get3A_536 : vector<1x256xf32> to vector<1024x256xf32>
    %add3A_538 = arith.addf %dot_general3A_533, %add3A_537 : vector<1024x256xf32>
    %convert_element_type3A_539 = arith.truncf %add3A_538 : vector<1024x256xf32> to vector<1024x256xbf16>
    %mul3A_540 = arith.constant 5.000000e-01 : bf16
    %mul3A_541 = vector.broadcast %mul3A_540 : bf16 to vector<1024x256xbf16>
    %mul3A_542 = arith.mulf %mul3A_541, %convert_element_type3A_539 : vector<1024x256xbf16>
    %mul3A_543 = arith.constant 7.070310e-01 : bf16
    %mul3A_544 = vector.broadcast %mul3A_543 : bf16 to vector<1024x256xbf16>
    %mul3A_545 = arith.mulf %convert_element_type3A_539, %mul3A_544 : vector<1024x256xbf16>
    %erf3A_546 = math.erf %mul3A_545 : vector<1024x256xbf16>
    %add3A_547 = arith.constant 1.000000e+00 : bf16
    %add3A_548 = vector.broadcast %add3A_547 : bf16 to vector<1024x256xbf16>
    %add3A_549 = arith.addf %add3A_548, %erf3A_546 : vector<1024x256xbf16>
    %mul3A_550 = arith.mulf %mul3A_542, %add3A_549 : vector<1024x256xbf16>
    %get3A_551 = arith.constant 11 : index
    %get3A_552 = arith.constant 0 : index
    %get3A_553 = arith.constant 0 : index
    %get3A_554 = vector.load %arg6[%get3A_551, %get3A_552, %get3A_553] : memref<16x256x128xbf16, #tpu.memory_space<vmem>>, vector<1x256x128xbf16>
    %get3A_555 = vector.shape_cast %get3A_554 : vector<1x256x128xbf16> to vector<256x128xbf16>
    %dot_general3A_556 = arith.constant dense<0.000000e+00> : vector<1024x128xf32>
    %dot_general3A_557 = tpu.matmul %mul3A_550, %get3A_555, %dot_general3A_556 {dimension_numbers = #tpu.dot_dimension_numbers<[1], [0], [0], [1], [0, 0, 1, 1], [], []>, transpose_lhs_hint = false} : vector<1024x256xbf16>, vector<256x128xbf16>, vector<1024x128xf32> -> vector<1024x128xf32>
    %get3A_558 = arith.constant 0 : index
    %get3A_559 = arith.constant 1408 : index
    %get3A_560 = vector.load %arg7[%get3A_558, %get3A_559] : memref<1x2048xf32, #tpu.memory_space<vmem>>, vector<1x128xf32>
    %add3A_561 = vector.broadcast %get3A_560 : vector<1x128xf32> to vector<1024x128xf32>
    %add3A_562 = arith.addf %dot_general3A_557, %add3A_561 : vector<1024x128xf32>
    %swap3A_563 = arith.constant 0 : index
    %swap3A_564 = arith.constant 11 : index
    %swap3A_565 = arith.constant 0 : index
    %swap3A_566 = vector.load %arg9[%swap3A_563, %swap3A_564, %swap3A_565] : memref<1024x16x128xf32, #tpu.memory_space<vmem>>, vector<1024x1x128xf32>
    %swap3A_567 = vector.shape_cast %swap3A_566 : vector<1024x1x128xf32> to vector<1024x128xf32>
    %swap3A_568 = vector.shape_cast %add3A_562 : vector<1024x128xf32> to vector<1024x1x128xf32>
    tpu.vector_store %arg9[%swap3A_563, %swap3A_564, %swap3A_565], %swap3A_568 {strides = array<i32>} : memref<1024x16x128xf32, #tpu.memory_space<vmem>>, vector<1024x1x128xf32>,
    %slice3A_569 = vector.extract_strided_slice %add3A {offsets = [0, 11], sizes = [1024, 1], strides = [1, 1]} : vector<1024x16xf32> to vector<1024x1xf32>
    %mul3A_570 = vector.broadcast %slice3A_569 : vector<1024x1xf32> to vector<1024x128xf32>
    %mul3A_571 = arith.mulf %mul3A_570, %add3A_562 : vector<1024x128xf32>
    %add3A_572 = arith.addf %add3A_526, %mul3A_571 : vector<1024x128xf32>
    %get3A_573 = arith.constant 12 : index
    %get3A_574 = arith.constant 0 : index
    %get3A_575 = arith.constant 0 : index
    %get3A_576 = vector.load %arg4[%get3A_573, %get3A_574, %get3A_575] : memref<16x256x256xbf16, #tpu.memory_space<vmem>>, vector<1x256x256xbf16>
    %get3A_577 = vector.shape_cast %get3A_576 : vector<1x256x256xbf16> to vector<256x256xbf16>
    %dot_general3A_578 = arith.constant dense<0.000000e+00> : vector<1024x256xf32>
    %dot_general3A_579 = tpu.matmul %convert_element_type3A, %get3A_577, %dot_general3A_578 {dimension_numbers = #tpu.dot_dimension_numbers<[1], [0], [0], [1], [0, 0, 1, 1], [], []>, transpose_lhs_hint = false} : vector<1024x256xbf16>, vector<256x256xbf16>, vector<1024x256xf32> -> vector<1024x256xf32>
    %get3A_580 = arith.constant 0 : index
    %get3A_581 = arith.constant 3072 : index
    %get3A_582 = vector.load %arg5[%get3A_580, %get3A_581] : memref<1x4096xf32, #tpu.memory_space<vmem>>, vector<1x256xf32>
    %add3A_583 = vector.broadcast %get3A_582 : vector<1x256xf32> to vector<1024x256xf32>
    %add3A_584 = arith.addf %dot_general3A_579, %add3A_583 : vector<1024x256xf32>
    %convert_element_type3A_585 = arith.truncf %add3A_584 : vector<1024x256xf32> to vector<1024x256xbf16>
    %mul3A_586 = arith.constant 5.000000e-01 : bf16
    %mul3A_587 = vector.broadcast %mul3A_586 : bf16 to vector<1024x256xbf16>
    %mul3A_588 = arith.mulf %mul3A_587, %convert_element_type3A_585 : vector<1024x256xbf16>
    %mul3A_589 = arith.constant 7.070310e-01 : bf16
    %mul3A_590 = vector.broadcast %mul3A_589 : bf16 to vector<1024x256xbf16>
    %mul3A_591 = arith.mulf %convert_element_type3A_585, %mul3A_590 : vector<1024x256xbf16>
    %erf3A_592 = math.erf %mul3A_591 : vector<1024x256xbf16>
    %add3A_593 = arith.constant 1.000000e+00 : bf16
    %add3A_594 = vector.broadcast %add3A_593 : bf16 to vector<1024x256xbf16>
    %add3A_595 = arith.addf %add3A_594, %erf3A_592 : vector<1024x256xbf16>
    %mul3A_596 = arith.mulf %mul3A_588, %add3A_595 : vector<1024x256xbf16>
    %get3A_597 = arith.constant 12 : index
    %get3A_598 = arith.constant 0 : index
    %get3A_599 = arith.constant 0 : index
    %get3A_600 = vector.load %arg6[%get3A_597, %get3A_598, %get3A_599] : memref<16x256x128xbf16, #tpu.memory_space<vmem>>, vector<1x256x128xbf16>
    %get3A_601 = vector.shape_cast %get3A_600 : vector<1x256x128xbf16> to vector<256x128xbf16>
    %dot_general3A_602 = arith.constant dense<0.000000e+00> : vector<1024x128xf32>
    %dot_general3A_603 = tpu.matmul %mul3A_596, %get3A_601, %dot_general3A_602 {dimension_numbers = #tpu.dot_dimension_numbers<[1], [0], [0], [1], [0, 0, 1, 1], [], []>, transpose_lhs_hint = false} : vector<1024x256xbf16>, vector<256x128xbf16>, vector<1024x128xf32> -> vector<1024x128xf32>
    %get3A_604 = arith.constant 0 : index
    %get3A_605 = arith.constant 1536 : index
    %get3A_606 = vector.load %arg7[%get3A_604, %get3A_605] : memref<1x2048xf32, #tpu.memory_space<vmem>>, vector<1x128xf32>
    %add3A_607 = vector.broadcast %get3A_606 : vector<1x128xf32> to vector<1024x128xf32>
    %add3A_608 = arith.addf %dot_general3A_603, %add3A_607 : vector<1024x128xf32>
    %swap3A_609 = arith.constant 0 : index
    %swap3A_610 = arith.constant 12 : index
    %swap3A_611 = arith.constant 0 : index
    %swap3A_612 = vector.load %arg9[%swap3A_609, %swap3A_610, %swap3A_611] : memref<1024x16x128xf32, #tpu.memory_space<vmem>>, vector<1024x1x128xf32>
    %swap3A_613 = vector.shape_cast %swap3A_612 : vector<1024x1x128xf32> to vector<1024x128xf32>
    %swap3A_614 = vector.shape_cast %add3A_608 : vector<1024x128xf32> to vector<1024x1x128xf32>
    tpu.vector_store %arg9[%swap3A_609, %swap3A_610, %swap3A_611], %swap3A_614 {strides = array<i32>} : memref<1024x16x128xf32, #tpu.memory_space<vmem>>, vector<1024x1x128xf32>,
    %slice3A_615 = vector.extract_strided_slice %add3A {offsets = [0, 12], sizes = [1024, 1], strides = [1, 1]} : vector<1024x16xf32> to vector<1024x1xf32>
    %mul3A_616 = vector.broadcast %slice3A_615 : vector<1024x1xf32> to vector<1024x128xf32>
    %mul3A_617 = arith.mulf %mul3A_616, %add3A_608 : vector<1024x128xf32>
    %add3A_618 = arith.addf %add3A_572, %mul3A_617 : vector<1024x128xf32>
    %get3A_619 = arith.constant 13 : index
    %get3A_620 = arith.constant 0 : index
    %get3A_621 = arith.constant 0 : index
    %get3A_622 = vector.load %arg4[%get3A_619, %get3A_620, %get3A_621] : memref<16x256x256xbf16, #tpu.memory_space<vmem>>, vector<1x256x256xbf16>
    %get3A_623 = vector.shape_cast %get3A_622 : vector<1x256x256xbf16> to vector<256x256xbf16>
    %dot_general3A_624 = arith.constant dense<0.000000e+00> : vector<1024x256xf32>
    %dot_general3A_625 = tpu.matmul %convert_element_type3A, %get3A_623, %dot_general3A_624 {dimension_numbers = #tpu.dot_dimension_numbers<[1], [0], [0], [1], [0, 0, 1, 1], [], []>, transpose_lhs_hint = false} : vector<1024x256xbf16>, vector<256x256xbf16>, vector<1024x256xf32> -> vector<1024x256xf32>
    %get3A_626 = arith.constant 0 : index
    %get3A_627 = arith.constant 3328 : index
    %get3A_628 = vector.load %arg5[%get3A_626, %get3A_627] : memref<1x4096xf32, #tpu.memory_space<vmem>>, vector<1x256xf32>
    %add3A_629 = vector.broadcast %get3A_628 : vector<1x256xf32> to vector<1024x256xf32>
    %add3A_630 = arith.addf %dot_general3A_625, %add3A_629 : vector<1024x256xf32>
    %convert_element_type3A_631 = arith.truncf %add3A_630 : vector<1024x256xf32> to vector<1024x256xbf16>
    %mul3A_632 = arith.constant 5.000000e-01 : bf16
    %mul3A_633 = vector.broadcast %mul3A_632 : bf16 to vector<1024x256xbf16>
    %mul3A_634 = arith.mulf %mul3A_633, %convert_element_type3A_631 : vector<1024x256xbf16>
    %mul3A_635 = arith.constant 7.070310e-01 : bf16
    %mul3A_636 = vector.broadcast %mul3A_635 : bf16 to vector<1024x256xbf16>
    %mul3A_637 = arith.mulf %convert_element_type3A_631, %mul3A_636 : vector<1024x256xbf16>
    %erf3A_638 = math.erf %mul3A_637 : vector<1024x256xbf16>
    %add3A_639 = arith.constant 1.000000e+00 : bf16
    %add3A_640 = vector.broadcast %add3A_639 : bf16 to vector<1024x256xbf16>
    %add3A_641 = arith.addf %add3A_640, %erf3A_638 : vector<1024x256xbf16>
    %mul3A_642 = arith.mulf %mul3A_634, %add3A_641 : vector<1024x256xbf16>
    %get3A_643 = arith.constant 13 : index
    %get3A_644 = arith.constant 0 : index
    %get3A_645 = arith.constant 0 : index
    %get3A_646 = vector.load %arg6[%get3A_643, %get3A_644, %get3A_645] : memref<16x256x128xbf16, #tpu.memory_space<vmem>>, vector<1x256x128xbf16>
    %get3A_647 = vector.shape_cast %get3A_646 : vector<1x256x128xbf16> to vector<256x128xbf16>
    %dot_general3A_648 = arith.constant dense<0.000000e+00> : vector<1024x128xf32>
    %dot_general3A_649 = tpu.matmul %mul3A_642, %get3A_647, %dot_general3A_648 {dimension_numbers = #tpu.dot_dimension_numbers<[1], [0], [0], [1], [0, 0, 1, 1], [], []>, transpose_lhs_hint = false} : vector<1024x256xbf16>, vector<256x128xbf16>, vector<1024x128xf32> -> vector<1024x128xf32>
    %get3A_650 = arith.constant 0 : index
    %get3A_651 = arith.constant 1664 : index
    %get3A_652 = vector.load %arg7[%get3A_650, %get3A_651] : memref<1x2048xf32, #tpu.memory_space<vmem>>, vector<1x128xf32>
    %add3A_653 = vector.broadcast %get3A_652 : vector<1x128xf32> to vector<1024x128xf32>
    %add3A_654 = arith.addf %dot_general3A_649, %add3A_653 : vector<1024x128xf32>
    %swap3A_655 = arith.constant 0 : index
    %swap3A_656 = arith.constant 13 : index
    %swap3A_657 = arith.constant 0 : index
    %swap3A_658 = vector.load %arg9[%swap3A_655, %swap3A_656, %swap3A_657] : memref<1024x16x128xf32, #tpu.memory_space<vmem>>, vector<1024x1x128xf32>
    %swap3A_659 = vector.shape_cast %swap3A_658 : vector<1024x1x128xf32> to vector<1024x128xf32>
    %swap3A_660 = vector.shape_cast %add3A_654 : vector<1024x128xf32> to vector<1024x1x128xf32>
    tpu.vector_store %arg9[%swap3A_655, %swap3A_656, %swap3A_657], %swap3A_660 {strides = array<i32>} : memref<1024x16x128xf32, #tpu.memory_space<vmem>>, vector<1024x1x128xf32>,
    %slice3A_661 = vector.extract_strided_slice %add3A {offsets = [0, 13], sizes = [1024, 1], strides = [1, 1]} : vector<1024x16xf32> to vector<1024x1xf32>
    %mul3A_662 = vector.broadcast %slice3A_661 : vector<1024x1xf32> to vector<1024x128xf32>
    %mul3A_663 = arith.mulf %mul3A_662, %add3A_654 : vector<1024x128xf32>
    %add3A_664 = arith.addf %add3A_618, %mul3A_663 : vector<1024x128xf32>
    %get3A_665 = arith.constant 14 : index
    %get3A_666 = arith.constant 0 : index
    %get3A_667 = arith.constant 0 : index
    %get3A_668 = vector.load %arg4[%get3A_665, %get3A_666, %get3A_667] : memref<16x256x256xbf16, #tpu.memory_space<vmem>>, vector<1x256x256xbf16>
    %get3A_669 = vector.shape_cast %get3A_668 : vector<1x256x256xbf16> to vector<256x256xbf16>
    %dot_general3A_670 = arith.constant dense<0.000000e+00> : vector<1024x256xf32>
    %dot_general3A_671 = tpu.matmul %convert_element_type3A, %get3A_669, %dot_general3A_670 {dimension_numbers = #tpu.dot_dimension_numbers<[1], [0], [0], [1], [0, 0, 1, 1], [], []>, transpose_lhs_hint = false} : vector<1024x256xbf16>, vector<256x256xbf16>, vector<1024x256xf32> -> vector<1024x256xf32>
    %get3A_672 = arith.constant 0 : index
    %get3A_673 = arith.constant 3584 : index
    %get3A_674 = vector.load %arg5[%get3A_672, %get3A_673] : memref<1x4096xf32, #tpu.memory_space<vmem>>, vector<1x256xf32>
    %add3A_675 = vector.broadcast %get3A_674 : vector<1x256xf32> to vector<1024x256xf32>
    %add3A_676 = arith.addf %dot_general3A_671, %add3A_675 : vector<1024x256xf32>
    %convert_element_type3A_677 = arith.truncf %add3A_676 : vector<1024x256xf32> to vector<1024x256xbf16>
    %mul3A_678 = arith.constant 5.000000e-01 : bf16
    %mul3A_679 = vector.broadcast %mul3A_678 : bf16 to vector<1024x256xbf16>
    %mul3A_680 = arith.mulf %mul3A_679, %convert_element_type3A_677 : vector<1024x256xbf16>
    %mul3A_681 = arith.constant 7.070310e-01 : bf16
    %mul3A_682 = vector.broadcast %mul3A_681 : bf16 to vector<1024x256xbf16>
    %mul3A_683 = arith.mulf %convert_element_type3A_677, %mul3A_682 : vector<1024x256xbf16>
    %erf3A_684 = math.erf %mul3A_683 : vector<1024x256xbf16>
    %add3A_685 = arith.constant 1.000000e+00 : bf16
    %add3A_686 = vector.broadcast %add3A_685 : bf16 to vector<1024x256xbf16>
    %add3A_687 = arith.addf %add3A_686, %erf3A_684 : vector<1024x256xbf16>
    %mul3A_688 = arith.mulf %mul3A_680, %add3A_687 : vector<1024x256xbf16>
    %get3A_689 = arith.constant 14 : index
    %get3A_690 = arith.constant 0 : index
    %get3A_691 = arith.constant 0 : index
    %get3A_692 = vector.load %arg6[%get3A_689, %get3A_690, %get3A_691] : memref<16x256x128xbf16, #tpu.memory_space<vmem>>, vector<1x256x128xbf16>
    %get3A_693 = vector.shape_cast %get3A_692 : vector<1x256x128xbf16> to vector<256x128xbf16>
    %dot_general3A_694 = arith.constant dense<0.000000e+00> : vector<1024x128xf32>
    %dot_general3A_695 = tpu.matmul %mul3A_688, %get3A_693, %dot_general3A_694 {dimension_numbers = #tpu.dot_dimension_numbers<[1], [0], [0], [1], [0, 0, 1, 1], [], []>, transpose_lhs_hint = false} : vector<1024x256xbf16>, vector<256x128xbf16>, vector<1024x128xf32> -> vector<1024x128xf32>
    %get3A_696 = arith.constant 0 : index
    %get3A_697 = arith.constant 1792 : index
    %get3A_698 = vector.load %arg7[%get3A_696, %get3A_697] : memref<1x2048xf32, #tpu.memory_space<vmem>>, vector<1x128xf32>
    %add3A_699 = vector.broadcast %get3A_698 : vector<1x128xf32> to vector<1024x128xf32>
    %add3A_700 = arith.addf %dot_general3A_695, %add3A_699 : vector<1024x128xf32>
    %swap3A_701 = arith.constant 0 : index
    %swap3A_702 = arith.constant 14 : index
    %swap3A_703 = arith.constant 0 : index
    %swap3A_704 = vector.load %arg9[%swap3A_701, %swap3A_702, %swap3A_703] : memref<1024x16x128xf32, #tpu.memory_space<vmem>>, vector<1024x1x128xf32>
    %swap3A_705 = vector.shape_cast %swap3A_704 : vector<1024x1x128xf32> to vector<1024x128xf32>
    %swap3A_706 = vector.shape_cast %add3A_700 : vector<1024x128xf32> to vector<1024x1x128xf32>
    tpu.vector_store %arg9[%swap3A_701, %swap3A_702, %swap3A_703], %swap3A_706 {strides = array<i32>} : memref<1024x16x128xf32, #tpu.memory_space<vmem>>, vector<1024x1x128xf32>,
    %slice3A_707 = vector.extract_strided_slice %add3A {offsets = [0, 14], sizes = [1024, 1], strides = [1, 1]} : vector<1024x16xf32> to vector<1024x1xf32>
    %mul3A_708 = vector.broadcast %slice3A_707 : vector<1024x1xf32> to vector<1024x128xf32>
    %mul3A_709 = arith.mulf %mul3A_708, %add3A_700 : vector<1024x128xf32>
    %add3A_710 = arith.addf %add3A_664, %mul3A_709 : vector<1024x128xf32>
    %get3A_711 = arith.constant 15 : index
    %get3A_712 = arith.constant 0 : index
    %get3A_713 = arith.constant 0 : index
    %get3A_714 = vector.load %arg4[%get3A_711, %get3A_712, %get3A_713] : memref<16x256x256xbf16, #tpu.memory_space<vmem>>, vector<1x256x256xbf16>
    %get3A_715 = vector.shape_cast %get3A_714 : vector<1x256x256xbf16> to vector<256x256xbf16>
    %dot_general3A_716 = arith.constant dense<0.000000e+00> : vector<1024x256xf32>
    %dot_general3A_717 = tpu.matmul %convert_element_type3A, %get3A_715, %dot_general3A_716 {dimension_numbers = #tpu.dot_dimension_numbers<[1], [0], [0], [1], [0, 0, 1, 1], [], []>, transpose_lhs_hint = false} : vector<1024x256xbf16>, vector<256x256xbf16>, vector<1024x256xf32> -> vector<1024x256xf32>
    %get3A_718 = arith.constant 0 : index
    %get3A_719 = arith.constant 3840 : index
    %get3A_720 = vector.load %arg5[%get3A_718, %get3A_719] : memref<1x4096xf32, #tpu.memory_space<vmem>>, vector<1x256xf32>
    %add3A_721 = vector.broadcast %get3A_720 : vector<1x256xf32> to vector<1024x256xf32>
    %add3A_722 = arith.addf %dot_general3A_717, %add3A_721 : vector<1024x256xf32>
    %convert_element_type3A_723 = arith.truncf %add3A_722 : vector<1024x256xf32> to vector<1024x256xbf16>
    %mul3A_724 = arith.constant 5.000000e-01 : bf16
    %mul3A_725 = vector.broadcast %mul3A_724 : bf16 to vector<1024x256xbf16>
    %mul3A_726 = arith.mulf %mul3A_725, %convert_element_type3A_723 : vector<1024x256xbf16>
    %mul3A_727 = arith.constant 7.070310e-01 : bf16
    %mul3A_728 = vector.broadcast %mul3A_727 : bf16 to vector<1024x256xbf16>
    %mul3A_729 = arith.mulf %convert_element_type3A_723, %mul3A_728 : vector<1024x256xbf16>
    %erf3A_730 = math.erf %mul3A_729 : vector<1024x256xbf16>
    %add3A_731 = arith.constant 1.000000e+00 : bf16
    %add3A_732 = vector.broadcast %add3A_731 : bf16 to vector<1024x256xbf16>
    %add3A_733 = arith.addf %add3A_732, %erf3A_730 : vector<1024x256xbf16>
    %mul3A_734 = arith.mulf %mul3A_726, %add3A_733 : vector<1024x256xbf16>
    %get3A_735 = arith.constant 15 : index
    %get3A_736 = arith.constant 0 : index
    %get3A_737 = arith.constant 0 : index
    %get3A_738 = vector.load %arg6[%get3A_735, %get3A_736, %get3A_737] : memref<16x256x128xbf16, #tpu.memory_space<vmem>>, vector<1x256x128xbf16>
    %get3A_739 = vector.shape_cast %get3A_738 : vector<1x256x128xbf16> to vector<256x128xbf16>
    %dot_general3A_740 = arith.constant dense<0.000000e+00> : vector<1024x128xf32>
    %dot_general3A_741 = tpu.matmul %mul3A_734, %get3A_739, %dot_general3A_740 {dimension_numbers = #tpu.dot_dimension_numbers<[1], [0], [0], [1], [0, 0, 1, 1], [], []>, transpose_lhs_hint = false} : vector<1024x256xbf16>, vector<256x128xbf16>, vector<1024x128xf32> -> vector<1024x128xf32>
    %get3A_742 = arith.constant 0 : index
    %get3A_743 = arith.constant 1920 : index
    %get3A_744 = vector.load %arg7[%get3A_742, %get3A_743] : memref<1x2048xf32, #tpu.memory_space<vmem>>, vector<1x128xf32>
    %add3A_745 = vector.broadcast %get3A_744 : vector<1x128xf32> to vector<1024x128xf32>
    %add3A_746 = arith.addf %dot_general3A_741, %add3A_745 : vector<1024x128xf32>
    %swap3A_747 = arith.constant 0 : index
    %swap3A_748 = arith.constant 15 : index
    %swap3A_749 = arith.constant 0 : index
    %swap3A_750 = vector.load %arg9[%swap3A_747, %swap3A_748, %swap3A_749] : memref<1024x16x128xf32, #tpu.memory_space<vmem>>, vector<1024x1x128xf32>
    %swap3A_751 = vector.shape_cast %swap3A_750 : vector<1024x1x128xf32> to vector<1024x128xf32>
    %swap3A_752 = vector.shape_cast %add3A_746 : vector<1024x128xf32> to vector<1024x1x128xf32>
    tpu.vector_store %arg9[%swap3A_747, %swap3A_748, %swap3A_749], %swap3A_752 {strides = array<i32>} : memref<1024x16x128xf32, #tpu.memory_space<vmem>>, vector<1024x1x128xf32>,
    %slice3A_753 = vector.extract_strided_slice %add3A {offsets = [0, 15], sizes = [1024, 1], strides = [1, 1]} : vector<1024x16xf32> to vector<1024x1xf32>
    %mul3A_754 = vector.broadcast %slice3A_753 : vector<1024x1xf32> to vector<1024x128xf32>
    %mul3A_755 = arith.mulf %mul3A_754, %add3A_746 : vector<1024x128xf32>
    %add3A_756 = arith.addf %add3A_710, %mul3A_755 : vector<1024x128xf32>
    %swap3A_757 = arith.constant 0 : index
    %swap3A_758 = arith.constant 0 : index
    %swap3A_759 = vector.load %arg8[%swap3A_757, %swap3A_758] : memref<1024x128xf32, #tpu.memory_space<vmem>>, vector<1024x128xf32>
    tpu.vector_store %arg8[%swap3A_757, %swap3A_758], %add3A_756 {strides = array<i32>} : memref<1024x128xf32, #tpu.memory_space<vmem>>, vector<1024x128xf32>,
    return
  }
  func.func @transform_0(%arg0: i32) -> (i32, i32) {
    %c0_i32 = arith.constant 0 : i32
    %c0_i32_0 = arith.constant 0 : i32
    return %arg0, %c0_i32 : i32, i32
  }
  func.func @transform_1(%arg0: i32) -> (i32, i32) {
    %c0_i32 = arith.constant 0 : i32
    %c0_i32_0 = arith.constant 0 : i32
    return %arg0, %c0_i32 : i32, i32
  }
  func.func @transform_2(%arg0: i32) -> (i32, i32) {
    %c0_i32 = arith.constant 0 : i32
    %c0_i32_0 = arith.constant 0 : i32
    return %arg0, %c0_i32 : i32, i32
  }
  func.func @transform_3(%arg0: i32) -> (i32, i32, i32) {
    %c0_i32 = arith.constant 0 : i32
    %c0_i32_0 = arith.constant 0 : i32
    %c0_i32_1 = arith.constant 0 : i32
    %c0_i32_2 = arith.constant 0 : i32
    return %c0_i32, %c0_i32_0, %c0_i32_1 : i32, i32, i32
  }
  func.func @transform_4(%arg0: i32) -> (i32, i32) {
    %c0_i32 = arith.constant 0 : i32
    %c0_i32_0 = arith.constant 0 : i32
    %c0_i32_1 = arith.constant 0 : i32
    return %c0_i32, %c0_i32_0 : i32, i32
  }
  func.func @transform_5(%arg0: i32) -> (i32, i32, i32) {
    %c0_i32 = arith.constant 0 : i32
    %c0_i32_0 = arith.constant 0 : i32
    %c0_i32_1 = arith.constant 0 : i32
    %c0_i32_2 = arith.constant 0 : i32
    return %c0_i32, %c0_i32_0, %c0_i32_1 : i32, i32, i32
  }
  func.func @transform_6(%arg0: i32) -> (i32, i32) {
    %c0_i32 = arith.constant 0 : i32
    %c0_i32_0 = arith.constant 0 : i32
    %c0_i32_1 = arith.constant 0 : i32
    return %c0_i32, %c0_i32_0 : i32, i32
  }
  func.func @transform_7(%arg0: i32) -> (i32, i32) {
    %c0_i32 = arith.constant 0 : i32
    %c0_i32_0 = arith.constant 0 : i32
    return %arg0, %c0_i32 : i32, i32
  }
  func.func @transform_8(%arg0: i32) -> (i32, i32, i32) {
    %c0_i32 = arith.constant 0 : i32
    %c0_i32_0 = arith.constant 0 : i32
    %c0_i32_1 = arith.constant 0 : i32
    return %arg0, %c0_i32, %c0_i32_0 : i32, i32, i32
  }
}

</mosaic_0001>

<sc_bundles>
// kernel: kernel.5.cloned.1.call-start
scs
__scs_entry_jumppad:
0x0: {  	(pc) =	sbr.rel $0x88, $3  }
0x1: {  	(tag) =	ssettag $0x0;
	lr =	simm.s32 $0x1  }
0x2: {  	[smem:$0x3F91] =	sst lr;
	_ =	strace $0xD0000000  }
0x3: {  	_ = 	snop  }
0x4: {  	_ = 	snop  }
0x5: {  	_ = 	snop  }
0x6: {  	_ = 	snop  }
0x7: {  	_ = 	snop  }
__scs_overlays_trampoline_lowered:
0x8: {  	[smem:$0x3FA0] =	sst s0  }
0x9: {  	[smem:$0x3FA1] =	sst s1  }
0xa: {  	[smem:$0x3FA2] =	sst s2  }
0xb: {  	[smem:$0x3FA3] =	sst s3  }
0xc: {  	[smem:$0x3FA4] =	sst s4  }
0xd: {  	[smem:$0x3FA5] =	sst s5  }
0xe: {  	[smem:$0x3FA6] =	sst s6  }
0xf: {  	[smem:$0x3FA7] =	sst s7  }
0x10: {  	[smem:$0x3FA8] =	sst s8  }
0x11: {  	[smem:$0x3FA9] =	sst s9;
	s0 =	simm.s32 @!p0 $0x0  }
0x12: {  	s1 =	sld [smem:$0x3F8F];
	s0 =	simm.s32 @p0 $0x1  }
0x13: {  	[smem:$0x3FAA] =	sst s0;
	s0 =	simm.s32 @!p1 $0x0  }
0x14: {  	s2 =	sld [smem:$0x3F8E];
	s0 =	simm.s32 @p1 $0x1  }
0x15: {  	[smem:$0x3FAB] =	sst s0;
	s0 =	simm.s32 @!p2 $0x0  }
0x16: {  	s3 =	sld [smem:$0x3FDB];
	s0 =	simm.s32 @p2 $0x1  }
0x17: {  	s4 =	simm.s32 $0x1BF5;
	[smem:$0x3FAD] =	sst s0  }
0x18: {  	s0 =	sld [smem:$0x3F90];
	_ =	swait.ge [sflag:s4], $0x0  }
0x19: {  	s7 =	sld [smem:$0x3F91]  }
0x1a: {  	s8 =	sadd.s32 $0xFFFFE003, lr  }
0x1b: {  	s9 =	sadd.s32 $0xFFFFFEF7, lr;
	s5 =	simm.s32 $0xFFFFFFFF;
	p2 =	slt.u32 s8, $0xFFFFF086  }
0x1c: {  	p1 =	slt.u32 s9, $0xF7A;
	s5 =	simm.s32 @!p2 $0x0  }
0x1d: {  	s5 =	simm.s32 @p1 $0x1;
	p0 =	seq.s32 s7, s2  }
0x1e: {  	s7 =	smul.u32 @!p0 $0xF7A, s2;
	p2 =	seq.s32 @!p0 s5, $0x0  }
0x1f: {  	s9 =	smul.u32 $0xF7A, s1;
	s8 =	simm.s32 @!p0 $0x1BF5;
	p2 =	por !p2, p0  }
0x20: {  	[sflag:s8] =	ssyncset.s32 @!p0 $0xFFFFF086;
	s6 =	sadd.s32 @!p0 s3, s7;
	s7 =	simm.s32 @!p0 $0x108  }
0x21: {  	s3 =	sadd.s32 s3, s9;
	s6 =	sadd.s32 @!p0 $0x88, s6;
	s7 =	simm.s32 @p2 $0x1082  }
0x22: {  	[simem:s7], [sflag:s8] =	dma.local @!p0 [hbm:s6], $0xF7A  }
0x23: {  	s9 =	sor.u32 $0xD0000000, s2;
	s6 =	simm.s32 $0x108;
	_ =	swait.ge @!p0 [sflag:s8], $0x0  }
0x24: {  	s3 =	sadd.s32 $0x88, s3;
	s6 =	simm.s32 @!p1 $0x1082;
	[sflag:s4] =	ssyncset.s32 $0xFFFFF086  }
0x25: {  	[simem:s6], [sflag:s4] =	dma.local [hbm:s3], $0xF7A  }
0x26: {  	[smem:$0x3F91] =	sst s1;
	(tag) =	ssettag s2;
	_ =	strace s9  }
0x27: {  	s1 =	sld [smem:$0x3FA1]  }
0x28: {  	s2 =	sld [smem:$0x3FA2]  }
0x29: {  	s4 =	sld [smem:$0x3FA4]  }
0x2a: {  	p0 =	seq.s32 s5, $0x0;
	s5 =	sld [smem:$0x3FA5]  }
0x2b: {  	s6 =	sld [smem:$0x3FA6]  }
0x2c: {  	s7 =	sld [smem:$0x3FA7]  }
0x2d: {  	s3 =	simm.s32 $0x108;
	s8 =	sld [smem:$0x3FA8]  }
0x2e: {  	s3 =	simm.s32 @!p0 $0x1082;
	s9 =	sld [smem:$0x3FA9]  }
0x2f: {  	lr =	sadd.s32 s0, s3;
	s0 =	sld [smem:$0x3FA0]  }
0x30: {  	s3 =	sld [smem:$0x3FA3]  }
0x31: {  	[smem:$0x3FAC] =	sst s10  }
0x32: {  	s10 =	sld [smem:$0x3FAA];
	_ =	sdelay $0x3  }
0x33: {  	p0 =	seq.s32 s10, $0x1;
	s10 =	sld [smem:$0x3FAC];
	_ =	sdelay $0x3  }
0x34: {  	[smem:$0x3FAC] =	sst s10  }
0x35: {  	s10 =	sld [smem:$0x3FAB];
	_ =	sdelay $0x3  }
0x36: {  	p1 =	seq.s32 s10, $0x1;
	s10 =	sld [smem:$0x3FAC];
	_ =	sdelay $0x3  }
0x37: {  	[smem:$0x3FAC] =	sst s10  }
0x38: {  	s10 =	sld [smem:$0x3FAD]  }
0x39: {  	_ = 	snop;
	(pc) =	sbr.ind lr, $3  }
0x3a: {  	_ = 	snop  }
0x3b: {  	_ = 	snop  }
0x3c: {  	p2 =	seq.s32 s10, $0x1;
	s10 =	sld [smem:$0x3FAC]  }
0x3d: {  	_ =	shalt  }
0x3e: {  	_ =	shalt  }
0x3f: {  	_ =	shalt  }
0x40: {  	_ =	shalt  }
0x41: {  	_ =	shalt  }
0x42: {  	_ =	shalt  }
0x43: {  	_ =	shalt  }
0x44: {  	_ =	shalt  }
0x45: {  	_ =	shalt  }
0x46: {  	_ =	shalt  }
0x47: {  	_ =	shalt  }
0x48: {  	_ =	shalt  }
0x49: {  	_ =	shalt  }
0x4a: {  	_ =	shalt  }
0x4b: {  	_ =	shalt  }
0x4c: {  	_ =	shalt  }
0x4d: {  	_ =	shalt  }
0x4e: {  	_ =	shalt  }
0x4f: {  	_ =	shalt  }
0x50: {  	_ =	shalt  }
0x51: {  	_ =	shalt  }
0x52: {  	_ =	shalt  }
0x53: {  	_ =	shalt  }
0x54: {  	_ =	shalt  }
0x55: {  	_ =	shalt  }
0x56: {  	_ =	shalt  }
0x57: {  	_ =	shalt  }
0x58: {  	_ =	shalt  }
0x59: {  	_ =	shalt  }
0x5a: {  	_ =	shalt  }
0x5b: {  	_ =	shalt  }
0x5c: {  	_ =	shalt  }
0x5d: {  	_ =	shalt  }
0x5e: {  	_ =	shalt  }
0x5f: {  	_ =	shalt  }
0x60: {  	_ =	shalt  }
0x61: {  	_ =	shalt  }
0x62: {  	_ =	shalt  }
0x63: {  	_ =	shalt  }
0x64: {  	_ =	shalt  }
0x65: {  	_ =	shalt  }
0x66: {  	_ =	shalt  }
0x67: {  	_ =	shalt  }
0x68: {  	_ =	shalt  }
0x69: {  	_ =	shalt  }
0x6a: {  	_ =	shalt  }
0x6b: {  	_ =	shalt  }
0x6c: {  	_ =	shalt  }
0x6d: {  	_ =	shalt  }
0x6e: {  	_ =	shalt  }
0x6f: {  	_ =	shalt  }
0x70: {  	_ =	shalt  }
0x71: {  	_ =	shalt  }
0x72: {  	_ =	shalt  }
0x73: {  	_ =	shalt  }
0x74: {  	_ =	shalt  }
0x75: {  	_ =	shalt  }
0x76: {  	_ =	shalt  }
0x77: {  	_ =	shalt  }
0x78: {  	_ =	shalt  }
0x79: {  	_ =	shalt  }
0x7a: {  	_ =	shalt  }
0x7b: {  	_ =	shalt  }
0x7c: {  	_ =	shalt  }
0x7d: {  	_ =	shalt  }
0x7e: {  	_ =	shalt  }
0x7f: {  	_ =	shalt  }
0x80: {  	_ =	shalt  }
0x81: {  	_ =	shalt  }
0x82: {  	_ =	shalt  }
0x83: {  	_ =	shalt  }
0x84: {  	_ =	shalt  }
0x85: {  	_ =	shalt  }
0x86: {  	_ =	shalt  }
0x87: {  	_ =	shalt  }
.Lfunc_end0:
.L_simem_size_0:
called_computation_lowered:
.L_overlay_start_0:
0x88: {  	s2 =	sld [smem:$0x3FD9]  }
0x89: {  	s3 =	sld [smem:$0x3FFE];
	_ =	sdelay $0x1  }
0x8a: {  	s1 =	srdreg.scid  }
0x8b: {  	s0 =	sand.u32 $0x1, s1  }
0x8c: {  	s14 =	sshll.u32 s0, $0xA;
	s2 =	sadd.s32 s3, s2  }
0x8d: {  	s2 =	sadd.s32 s2, s14  }
0x8e: {  	[smem:$0x3FB8] =	sst s2  }
0x8f: {  	_ = 	snop  }
0x90: {  	s2 =	sld [smem:$0x3FD0];
	_ =	sdelay $0x2  }
0x91: {  	s15 =	simm.s32 $0xA;
	s4 =	simm.s32 $0x10  }
0x92: {  	[smem:s4], [sflag:s15] =	dma.local [hbm:s2], $0x1  }
0x93: {  	_ =	swait.eq [sflag:s15], $0x1  }
0x94: {  	s16 =	sld [smem:$0x10]  }
0x95: {  	s17 =	sld [smem:$0x15];
	[sflag:s15] =	ssyncset.done $0x0  }
0x96: {  	s5 =	sld [smem:$0x16];
	[sflag:s15] =	ssyncadd.s32 $0xFFFFFFFF  }
0x97: {  	s18 =	sld [smem:$0x17];
	(tm) =	ssettm $0x1  }
0x98: {  	s6 =	sld [smem:$0x3FFB];
	_ =	sdelay $0x3  }
0x99: {  	_ =	strace s6  }
0x9a: {  	s6 =	sld [smem:$0x3FFC];
	_ =	sdelay $0x3  }
0x9b: {  	_ =	strace s6  }
0x9c: {  	s6 =	sld [smem:$0x3FFD];
	_ =	sdelay $0x3  }
0x9d: {  	_ =	strace s6  }
0x9e: {  	_ =	strace $0x8FFFFFFF  }
0x9f: {  	s19 =	sld [smem:$0x3FDB];
	_ =	sdelay $0x1  }
0xa0: {  	s7 =	simm.s32 $_scs_section_size  }
0xa1: {  	s8 =	simm.s32 $_size__tile_overlayer_lowered;
	s9 =	simm.s32 $_tile_overlayer_lowered  }
0xa2: {  	s22 =	simm.s32 $0x1BFF;
	s21 =	sshll.u32 s9, $0x1;
	s6 =	sadd.s32 s7, s19  }
0xa3: {  	s10 =	simm.s32 $0x0;
	s20 =	sshll.u32 s8, $0x1;
	s8 =	sadd.s32 s21, s6  }
0xa4: {  	[timem:s10], [sflag:s22] =	dma.local [hbm:s8], s20  }
0xa5: {  	_ =	swait.ge [sflag:s22], s20  }
0xa6: {  	s7 =	ssub.s32 $0x0, s20;
	[sflag:s22] =	ssyncset.done $0x0  }
0xa7: {  	[sflag:s22] =	ssyncadd.s32 s7;
	_ =	sdelay $0x1  }
0xa8: {  	s23 =	simm.s32 $0x1B8B  }
0xa9: {  	_ =	swait.ge [sflag:s23], $0x1  }
0xaa: {  	[sflag:s23] =	ssyncset.done $0x0  }
0xab: {  	s25 =	simm.s32 $0x1B8E;
	s24 =	sld [smem:$0x3FFE];
	[sflag:s23] =	ssyncadd.s32 $0xFFFFFFFF  }
0xac: {  	s26 =	simm.s32 $execute0_lowered;
	[smem:$0x3FD2] =	sst s25  }
0xad: {  	s8 =	sshll.u32 s26, $0x1;
	_ =	strace $0x80000046;
	[dreg:$0x1] =	wrdreg $0xFFFFFFFF  }
0xae: {  	s28 =	simm.s32 $_size_execute0_lowered;
	s6 =	sadd.s32 s6, s8;
	[dreg:$0x0] =	wrdreg $0x0  }
0xaf: {  	s8 =	sshll.u32 s28, $0x1;
	[dreg:$0x2] =	wrdreg s6  }
0xb0: {  	[dreg:$0x3] =	wrdreg s8  }
0xb1: {  	[dreg:$0x4] =	wrdreg $0xC0  }
0xb2: {  	_ =	task [dreg:s10], $0x5FFFF  }
0xb3: {  	[dreg:$0x1] =	wrdreg $0xFFFFFFFF  }
0xb4: {  	[dreg:$0x0] =	wrdreg $0x60  }
0xb5: {  	[dreg:$0x2] =	wrdreg s16  }
0xb6: {  	[dreg:$0x3] =	wrdreg s5  }
0xb7: {  	[dreg:$0x4] =	wrdreg s17  }
0xb8: {  	[dreg:$0x5] =	wrdreg s18  }
0xb9: {  	[dreg:$0x6] =	wrdreg s24  }
0xba: {  	[dreg:$0x7] =	wrdreg $0x9  }
0xbb: {  	_ =	task.clear_ibuf [dreg:s10], $0x8FFFF;
	_ =	strace $0x90000046  }
0xbc: {  	s29 =	simm.s32 $0x9;
	_ =	strace $0x80000048  }
0xbd: {  	_ =	swait.ge [sflag:s29], $0x1  }
0xbe: {  	[sflag:s29] =	ssyncadd.s32 $0xFFFFFFFF  }
0xbf: {  	_ =	strace $0x90000048  }
0xc0: {  	_ =	sfence  }
0xc1: {  	s30 =	sld [smem:$0x0];
	_ =	sdelay $0x2  }
0xc2: {  	s31 =	sshll.u32 s1, $0xD;
	s1 =	sshrl.u32 s1, $0x2  }
0xc3: {  	s3 =	sand.u32 $0x4000, s31;
	s1 =	sadd.s32 s1, s30  }
0xc4: {  	s0 =	sor.u32 s3, s0;
	s1 =	sshll.u32 s1, $0x11  }
0xc5: {  	s0 =	sor.u32 s1, s0  }
0xc6: {  	s0 =	sadd.s32 $0x8F2B, s0  }
0xc7: {  	[sflag:s0] =	ssyncadd.remote.s32 $0x1  }
0xc8: {  	_ =	sfence.sel $0xFFFF  }
0xc9: {  	[dreg:$0x0] =	wrdreg $0xFFFFFFFF;
	(pc) =	sbr.abs _section_cstart, $3  }
0xca: {  	[dreg:$0x1] =	wrdreg $0xFFFFFFFF  }
0xcb: {  	_ =	task.clear_ibuf [dreg:s10], $0x2FFFF;
	_ =	strace $0x9FFFFFFF  }
0xcc: {  	(tm) =	ssettm $0x7FFFFFFF  }
0xcd: {  	_ =	shalt  }
tec
execute0_lowered:
.L_overlay_start_1:
0x0: {  	(tag) =	ssettag $0x1  }
0x1: {  	s3 =	rddreg [dreg:$0x0]  }
0x2: {  	s4 =	rddreg [dreg:$0x1]  }
0x3: {  	s5 =	rddreg [dreg:$0x2]  }
0x4: {  	s1 =	srdreg.scid;
	s6 =	rddreg [dreg:$0x3]  }
0x5: {  	s0 =	stileid.u32;
	s8 =	rddreg [dreg:$0x4]  }
0x6: {  	s2 =	simm.s32 $0x0;
	s12 =	simm.s32 $0x1000;
	s13 =	simm.s32 $0x1100  }
0x7: {  	s14 =	simm.s32 $0x1200;
	s15 =	simm.s32 $0x1300;
	s16 =	simm.s32 $0x0  }
0x8: {  	s7 =	sand.u32 $0x1, s1;
	s9 =	sshll.u32 s0, $0x9;
	s1 =	rddreg [dreg:$0x5]  }
0x9: {  	[smem:$0x7FF] =	sst s2;
	s10 =	sshll.u32 s7, $0x8;
	s7 =	ssub.s32 $0x2, s7  }
0xa: {  	_ =	strace $0x80000047;
	s9 =	sor.u32 s10, s9;
	s11 =	sshrl.u32 s7, $0x1  }
0xb: {  	s10 =	sshrl.u32 s9, $0x3;
	s11 =	ssub.s32 s7, s11;
	s3 =	sadd.s32 s3, s9  }
0xc: {  	s9 =	simm.s32 $0x800;
	s8 =	sadd.s32 s10, s8;
	s4 =	sadd.s32 s4, s10  }
0xd: {  	s5 =	sadd.s32 s5, s10;
	s6 =	sadd.s32 s6, s10;
	s10 =	simm.s32 $0x10000  }
0xe: {  	v0 =	vimm.s32 $0x10;
	s7 =	sadd.s32 $0x2600, s8;
	s8 =	smax.u32 s11, $0x1;
	s11 =	simm.s32 $0x1  }
.LBB2_1:
0xf: {  	[tilespmem:s2], [sflag:$0x1] =	stream.strided.gather [hbm4b:s3+s9], $0x1000, s10, s9, $0x38;
	[tilespmem:$0x1400] =	vst v63  }
0x10: {  	_ =	swait.ge [sflag:s11], $0x1000  }
0x11: {  	s17 =	sand.u32 $0x70, s2;
	s18 =	sand.u32 $0x400, s2;
	[sflag:s11] =	ssyncset.done $0x0  }
0x12: {  	s17 =	sor.u32 s17, s18;
	[sflag:s11] =	ssyncadd.s32 $0xFFFFF000  }
0x13: {  	v1 =	vld [tilespmem:s17+$0x0]  }
0x14: {  	v2 =	vld [tilespmem:s17+$0x80]  }
0x15: {  	v3 =	vld [tilespmem:s17+$0x100]  }
0x16: {  	v4 =	vld [tilespmem:s17+$0x180]  }
0x17: {  	v5 =	vld [tilespmem:s17+$0x200]  }
0x18: {  	v6 =	vld [tilespmem:s17+$0x280]  }
0x19: {  	v8 =	vld [tilespmem:s17+$0x300];
	v9 =	vmax.f32 v1, v2  }
0x1a: {  	v7 =	vld [tilespmem:s17+$0x380];
	v9 =	vmax.f32 v9, v3  }
0x1b: {  	v10 =	vld [tilespmem:s17+$0x800];
	v11 =	vmax.f32 v9, v4  }
0x1c: {  	v9 =	vld [tilespmem:s17+$0x880];
	v12 =	vmax.f32 v11, v5  }
0x1d: {  	v11 =	vld [tilespmem:s17+$0x900];
	v13 =	vmax.f32 v12, v6  }
0x1e: {  	v12 =	vld [tilespmem:s17+$0x980];
	v14 =	vmax.f32 v13, v8  }
0x1f: {  	v13 =	vld [tilespmem:s17+$0xA00];
	v14 =	vmax.f32 v14, v7  }
0x20: {  	v15 =	vld [tilespmem:s17+$0xA80];
	v14 =	vmax.f32 v14, v10  }
0x21: {  	v16 =	vld [tilespmem:s17+$0xB00];
	v17 =	vmax.f32 v14, v9  }
0x22: {  	v14 =	vld [tilespmem:s17+$0xB80];
	v17 =	vmax.f32 v17, v11  }
0x23: {  	v17 =	vmax.f32 v17, v12  }
0x24: {  	v17 =	vmax.f32 v17, v13  }
0x25: {  	v17 =	vmax.f32 v17, v15  }
0x26: {  	v17 =	vmax.f32 v17, v16  }
0x27: {  	v18 =	vmax.f32 v17, v14  }
0x28: {  	vm0 =	veq.f32 v14, v18  }
0x29: {  	vm1 =	veq.f32 v16, v18;
	v17 =	vsel vm0, $0xF, v0  }
0x2a: {  	vm11 =	veq.f32 v15, v18;
	v17 =	vsel vm1, $0xE, v17  }
0x2b: {  	vm12 =	veq.f32 v13, v18;
	v17 =	vsel vm11, $0xD, v17  }
0x2c: {  	vm13 =	veq.f32 v12, v18;
	v17 =	vsel vm12, $0xC, v17  }
0x2d: {  	vm14 =	veq.f32 v11, v18;
	v17 =	vsel vm13, $0xB, v17  }
0x2e: {  	vm15 =	veq.f32 v9, v18;
	v17 =	vsel vm14, $0xA, v17  }
0x2f: {  	vm4 =	veq.f32 v10, v18;
	v17 =	vsel vm15, $0x9, v17  }
0x30: {  	vm5 =	veq.f32 v7, v18;
	v17 =	vsel vm4, $0x8, v17  }
0x31: {  	vm6 =	veq.f32 v8, v18;
	v17 =	vsel vm5, $0x7, v17  }
0x32: {  	vm7 =	veq.f32 v6, v18;
	v17 =	vsel vm6, $0x6, v17  }
0x33: {  	vm8 =	veq.f32 v5, v18;
	v17 =	vsel vm7, $0x5, v17  }
0x34: {  	vm9 =	veq.f32 v4, v18;
	v17 =	vsel vm8, $0x4, v17  }
0x35: {  	vm10 =	veq.f32 v3, v18;
	v17 =	vsel vm9, $0x3, v17  }
0x36: {  	vm11 =	veq.f32 v2, v18;
	v17 =	vsel vm10, $0x2, v17  }
0x37: {  	vm12 =	veq.f32 v1, v18;
	v17 =	vsel vm11, $0x1, v17  }
0x38: {  	v17 =	vsel vm12, $0x0, v17  }
0x39: {  	v19 =	vmax.f32 v1, $-3.399999950e+38;
	vm13 =	veq.s32 v17, $0x0;
	vm1 =	veq.s32 v17, $0x1  }
0x3a: {  	vm14 =	veq.s32 v17, $0x2;
	v19 =	vsel vm13, $0xFF7FC99E, v19;
	v20 =	vsel vm1, $0xFF7FC99E, v2  }
0x3b: {  	vm15 =	veq.s32 v17, $0x3;
	v19 =	vmax.f32 v19, v20;
	v20 =	vsel vm14, $0xFF7FC99E, v3  }
0x3c: {  	vm4 =	veq.s32 v17, $0x4;
	v21 =	vsel vm15, $0xFF7FC99E, v4;
	v19 =	vmax.f32 v19, v20  }
0x3d: {  	vm5 =	veq.s32 v17, $0x5;
	v20 =	vsel vm4, $0xFF7FC99E, v5;
	v19 =	vmax.f32 v19, v21  }
0x3e: {  	vm6 =	veq.s32 v17, $0x6;
	v19 =	vmax.f32 v19, v20;
	v20 =	vsel vm5, $0xFF7FC99E, v6  }
0x3f: {  	vm7 =	veq.s32 v17, $0x7;
	v19 =	vmax.f32 v19, v20;
	v20 =	vsel vm6, $0xFF7FC99E, v8  }
0x40: {  	vm8 =	veq.s32 v17, $0x8;
	v19 =	vmax.f32 v19, v20;
	v20 =	vsel vm7, $0xFF7FC99E, v7  }
0x41: {  	vm9 =	veq.s32 v17, $0x9;
	v19 =	vmax.f32 v19, v20;
	v20 =	vsel vm8, $0xFF7FC99E, v10  }
0x42: {  	vm10 =	veq.s32 v17, $0xA;
	v19 =	vmax.f32 v19, v20;
	v20 =	vsel vm9, $0xFF7FC99E, v9  }
0x43: {  	vm11 =	veq.s32 v17, $0xB;
	v19 =	vmax.f32 v19, v20;
	v20 =	vsel vm10, $0xFF7FC99E, v11  }
0x44: {  	vm12 =	veq.s32 v17, $0xC;
	v19 =	vmax.f32 v19, v20;
	v20 =	vsel vm11, $0xFF7FC99E, v12  }
0x45: {  	vm13 =	veq.s32 v17, $0xD;
	v19 =	vmax.f32 v19, v20;
	v20 =	vsel vm12, $0xFF7FC99E, v13  }
0x46: {  	vm14 =	veq.s32 v17, $0xE;
	v19 =	vmax.f32 v19, v20;
	v20 =	vsel vm13, $0xFF7FC99E, v15  }
0x47: {  	s20 =	simm.s32 $0x10;
	s21 =	simm.s32 $0x1210;
	s22 =	simm.s32 $0x1310;
	vm15 =	veq.s32 v17, $0xF;
	v19 =	vmax.f32 v19, v20;
	v20 =	vsel vm14, $0xFF7FC99E, v16  }
0x48: {  	s23 =	simm.s32 $0x0;
	s24 =	simm.s32 $0x1000;
	s25 =	simm.s32 $0x1100;
	v63 =	vsel vm15, $0xFF7FC99E, v14;
	v19 =	vmax.f32 v19, v20  }
0x49: {  	s19 =	simm.s32 $0x1100;
	s18 =	simm.s32 $0x1300;
	s17 =	simm.s32 $0x1200;
	[tilespmem:s12+$0x0] =	vst v17;
	v19 =	vmax.f32 v19, v63  }
.LBB2_2:
0x4a: {  	v18 =	vsub.f32 v19, v18;
	vm0 =	vne.s32 v17, $0x1;
	v20 =	vimm.s32 $0x0  }
0x4b: {  	vm11 =	vne.s32 v17, $0x0;
	vm3 =	vne.s32 v17, $0x3;
	vm12 =	vne.s32 v17, $0x2  }
0x4c: {  	vm6 =	vne.s32 v17, $0x6;
	vm5 =	vne.s32 v17, $0x5;
	vm4 =	vne.s32 v17, $0x4  }
0x4d: {  	vm8 =	vne.s32 v17, $0x8;
	vm7 =	vne.s32 v17, $0x7;
	vm10 =	vne.s32 v17, $0x9  }
0x4e: {  	vm13 =	vne.s32 v17, $0xE;
	vm14 =	vne.s32 v17, $0xD;
	vm15 =	vne.s32 v17, $0xC  }
0x4f: {  	vm1 =	veq.f32 v14, v19;
	v20 =	vsel vm0, $0xFFFFFFFF, v20;
	vm0 =	vne.s32 v17, $0xF  }
0x50: {  	vm9 =	veq.f32 v8, v19;
	[tilespmem:$0x1FFE0] =	vst v20;
	v20 =	vimm.s32 $0x0;
	vm0 =	vmand vm0, vm1  }
0x51: {  	vm1 =	veq.f32 v16, v19;
	v20 =	vsel vm11, $0xFFFFFFFF, v20;
	vm11 =	vne.s32 v17, $0xB  }
0x52: {  	v8 =	vsel vm0, $0xF, v0;
	vm0 =	vmand vm13, vm1;
	vm13 =	veq.f32 v15, v19  }
0x53: {  	[tilespmem:$0x1FFF0] =	vst v20;
	v20 =	vimm.s32 $0x0;
	v8 =	vsel vm0, $0xE, v8;
	vm14 =	vmand vm14, vm13  }
0x54: {  	vm13 =	veq.f32 v13, v19;
	v20 =	vsel vm12, $0xFFFFFFFF, v20;
	vm12 =	vne.s32 v17, $0xA  }
0x55: {  	v8 =	vsel vm14, $0xD, v8;
	vm14 =	vmand vm15, vm13;
	vm15 =	veq.f32 v12, v19  }
0x56: {  	vm13 =	veq.f32 v11, v19;
	v8 =	vsel vm14, $0xC, v8;
	vm11 =	vmand vm11, vm15  }
0x57: {  	vm14 =	vmand vm12, vm13;
	vm15 =	veq.f32 v9, v19;
	v8 =	vsel vm11, $0xB, v8  }
0x58: {  	vm2 =	veq.f32 v10, v19;
	vm11 =	vmand vm10, vm15;
	v8 =	vsel vm14, $0xA, v8  }
0x59: {  	vm12 =	vmand vm8, vm2;
	vm13 =	veq.f32 v7, v19;
	v8 =	vsel vm11, $0x9, v8  }
0x5a: {  	v18 =	vmul.f32 $1.442695020e+00, v18;
	vm14 =	vmand vm7, vm13;
	v7 =	vsel vm12, $0x8, v8  }
0x5b: {  	vm15 =	vmand vm6, vm9;
	vm6 =	veq.f32 v6, v19;
	v7 =	vsel vm14, $0x7, v7  }
0x5c: {  	vm8 =	veq.f32 v5, v19;
	vm7 =	vmand vm5, vm6;
	v6 =	vsel vm15, $0x6, v7  }
0x5d: {  	vm9 =	vmand vm4, vm8;
	vm10 =	veq.f32 v4, v19;
	v5 =	vsel vm7, $0x5, v6  }
0x5e: {  	[tilespmem:$0x1FFD0] =	vst v20;
	vm11 =	vmand vm3, vm10;
	v4 =	vsel vm9, $0x4, v5  }
0x5f: {  	(erf) = vpow2.f32 v18;
	vm12 =	veq.f32 v3, v19;
	v3 =	vsel vm11, $0x3, v4;
	v4 =	vld [tilespmem:$0x1FFD0];
	_ =	sdelay $0x4  }
0x60: {  	vm13 =	vnez.u8 v4  }
0x61: {  	vm0 =	vmand vm13, vm12  }
0x62: {  	vm14 =	veq.f32 v2, v19;
	v2 =	vsel vm0, $0x2, v3;
	v3 =	vld [tilespmem:$0x1FFE0];
	_ =	sdelay $0x1  }
0x63: {  	v9 =	vpop (erf)  }
0x64: {  	v10 =	vadd.f32 $1.000000000e+00, v9;
	_ =	sdelay $0x1  }
0x65: {  	(erf) = vrcp.f32 v10;
	vm15 =	vnez.u8 v3  }
0x66: {  	vm0 =	vmand vm15, vm14  }
0x67: {  	v3 =	vsel vm0, $0x1, v2;
	v2 =	vld [tilespmem:$0x1FFF0];
	_ =	sdelay $0x4  }
0x68: {  	vm4 =	veq.f32 v1, v19;
	vm5 =	vnez.u8 v2  }
0x69: {  	vm0 =	vmand vm5, vm4  }
0x6a: {  	v1 =	vpop (erf);
	v2 =	vsel vm0, $0x0, v3  }
0x6b: {  	s23 =	sadd.s32 $0x80, s23;
	[tilespmem:s19+$0x0] =	vst v2;
	v2 =	vmul.f32 v1, v9  }
0x6c: {  	s26 =	sand.u32 $0x70, s20;
	s28 =	sand.u32 $0x400, s23;
	[tilespmem:s17+$0x0] =	vst v1  }
0x6d: {  	s26 =	sor.u32 s26, s28;
	[tilespmem:s18+$0x0] =	vst v2  }
0x6e: {  	v1 =	vld [tilespmem:s26+$0x0]  }
0x6f: {  	v2 =	vld [tilespmem:s26+$0x80]  }
0x70: {  	v3 =	vld [tilespmem:s26+$0x100]  }
0x71: {  	v4 =	vld [tilespmem:s26+$0x180]  }
0x72: {  	v5 =	vld [tilespmem:s26+$0x200]  }
0x73: {  	v6 =	vld [tilespmem:s26+$0x280]  }
0x74: {  	v8 =	vld [tilespmem:s26+$0x300];
	v9 =	vmax.f32 v1, v2  }
0x75: {  	v7 =	vld [tilespmem:s26+$0x380];
	v9 =	vmax.f32 v9, v3  }
0x76: {  	v10 =	vld [tilespmem:s26+$0x800];
	v11 =	vmax.f32 v9, v4  }
0x77: {  	v9 =	vld [tilespmem:s26+$0x880];
	v12 =	vmax.f32 v11, v5  }
0x78: {  	v11 =	vld [tilespmem:s26+$0x900];
	v13 =	vmax.f32 v12, v6  }
0x79: {  	v12 =	vld [tilespmem:s26+$0x980];
	v15 =	vmax.f32 v13, v8  }
0x7a: {  	v13 =	vld [tilespmem:s26+$0xA00];
	v16 =	vmax.f32 v15, v7  }
0x7b: {  	v15 =	vld [tilespmem:s26+$0xA80];
	v17 =	vmax.f32 v16, v10  }
0x7c: {  	v16 =	vld [tilespmem:s26+$0xB00];
	v17 =	vmax.f32 v17, v9  }
0x7d: {  	v14 =	vld [tilespmem:s26+$0xB80];
	v17 =	vmax.f32 v17, v11  }
0x7e: {  	v17 =	vmax.f32 v17, v12  }
0x7f: {  	v17 =	vmax.f32 v17, v13  }
0x80: {  	v17 =	vmax.f32 v17, v15  }
0x81: {  	v17 =	vmax.f32 v17, v16  }
0x82: {  	v18 =	vmax.f32 v17, v14  }
0x83: {  	vm6 =	veq.f32 v14, v18  }
0x84: {  	vm7 =	veq.f32 v16, v18;
	v17 =	vsel vm6, $0xF, v0  }
0x85: {  	vm8 =	veq.f32 v15, v18;
	v17 =	vsel vm7, $0xE, v17  }
0x86: {  	vm9 =	veq.f32 v13, v18;
	v17 =	vsel vm8, $0xD, v17  }
0x87: {  	vm10 =	veq.f32 v12, v18;
	v17 =	vsel vm9, $0xC, v17  }
0x88: {  	vm11 =	veq.f32 v11, v18;
	v17 =	vsel vm10, $0xB, v17  }
0x89: {  	vm12 =	veq.f32 v9, v18;
	v17 =	vsel vm11, $0xA, v17  }
0x8a: {  	vm14 =	veq.f32 v10, v18;
	v17 =	vsel vm12, $0x9, v17  }
0x8b: {  	vm11 =	veq.f32 v7, v18;
	v17 =	vsel vm14, $0x8, v17  }
0x8c: {  	vm0 =	veq.f32 v8, v18;
	v17 =	vsel vm11, $0x7, v17  }
0x8d: {  	vm3 =	veq.f32 v6, v18;
	v17 =	vsel vm0, $0x6, v17  }
0x8e: {  	vm4 =	veq.f32 v5, v18;
	v17 =	vsel vm3, $0x5, v17  }
0x8f: {  	vm5 =	veq.f32 v4, v18;
	v17 =	vsel vm4, $0x4, v17  }
0x90: {  	vm6 =	veq.f32 v3, v18;
	v17 =	vsel vm5, $0x3, v17  }
0x91: {  	vm13 =	veq.f32 v2, v18;
	v17 =	vsel vm6, $0x2, v17  }
0x92: {  	vm15 =	veq.f32 v1, v18;
	v17 =	vsel vm13, $0x1, v17  }
0x93: {  	v17 =	vsel vm15, $0x0, v17  }
0x94: {  	v19 =	vmax.f32 v1, $-3.399999950e+38;
	vm12 =	veq.s32 v17, $0x0;
	vm13 =	veq.s32 v17, $0x1  }
0x95: {  	vm15 =	veq.s32 v17, $0x2;
	v19 =	vsel vm12, $0xFF7FC99E, v19;
	v20 =	vsel vm13, $0xFF7FC99E, v2  }
0x96: {  	vm14 =	veq.s32 v17, $0x3;
	v19 =	vmax.f32 v19, v20;
	v20 =	vsel vm15, $0xFF7FC99E, v3  }
0x97: {  	vm4 =	veq.s32 v17, $0x4;
	v21 =	vsel vm14, $0xFF7FC99E, v4;
	v19 =	vmax.f32 v19, v20  }
0x98: {  	vm5 =	veq.s32 v17, $0x5;
	v20 =	vsel vm4, $0xFF7FC99E, v5;
	v19 =	vmax.f32 v19, v21  }
0x99: {  	vm6 =	veq.s32 v17, $0x6;
	v19 =	vmax.f32 v19, v20;
	v20 =	vsel vm5, $0xFF7FC99E, v6  }
0x9a: {  	vm7 =	veq.s32 v17, $0x7;
	v19 =	vmax.f32 v19, v20;
	v20 =	vsel vm6, $0xFF7FC99E, v8  }
0x9b: {  	vm8 =	veq.s32 v17, $0x8;
	v19 =	vmax.f32 v19, v20;
	v20 =	vsel vm7, $0xFF7FC99E, v7  }
0x9c: {  	vm9 =	veq.s32 v17, $0x9;
	v19 =	vmax.f32 v19, v20;
	v20 =	vsel vm8, $0xFF7FC99E, v10  }
0x9d: {  	vm10 =	veq.s32 v17, $0xA;
	v19 =	vmax.f32 v19, v20;
	v20 =	vsel vm9, $0xFF7FC99E, v9  }
0x9e: {  	vm11 =	veq.s32 v17, $0xB;
	v19 =	vmax.f32 v19, v20;
	v20 =	vsel vm10, $0xFF7FC99E, v11  }
0x9f: {  	p0 =	sne.s32 s20, $0xF0;
	vm12 =	veq.s32 v17, $0xC;
	v19 =	vmax.f32 v19, v20;
	v20 =	vsel vm11, $0xFF7FC99E, v12  }
.Ltmp0:
0xa0: {  	vm13 =	veq.s32 v17, $0xD;
	v19 =	vmax.f32 v19, v20;
	v20 =	vsel vm12, $0xFF7FC99E, v13;
	(pc) =	sbr.rel @p0 .LBB2_2-.Ltmp0, $4  }
0xa1: {  	vm14 =	veq.s32 v17, $0xE;
	v19 =	vmax.f32 v19, v20;
	v20 =	vsel vm13, $0xFF7FC99E, v15  }
0xa2: {  	s24 =	sadd.s32 $0x10, s24;
	s25 =	sadd.s32 $0x10, s25;
	vm15 =	veq.s32 v17, $0xF;
	v19 =	vmax.f32 v19, v20;
	v20 =	vsel vm14, $0xFF7FC99E, v16  }
0xa3: {  	s20 =	sadd.s32 $0x10, s20;
	s19 =	smov.u32 s25;
	s17 =	smov.u32 s21;
	v63 =	vsel vm15, $0xFF7FC99E, v14;
	v19 =	vmax.f32 v19, v20  }
0xa4: {  	s21 =	sadd.s32 $0x10, s21;
	s18 =	smov.u32 s22;
	s22 =	sadd.s32 $0x10, s22;
	[tilespmem:s24+$0x0] =	vst v17;
	v19 =	vmax.f32 v19, v63  }
0xa5: {  	v18 =	vsub.f32 v19, v18;
	_ =	sdelay $0x1  }
0xa6: {  	vm0 =	veq.f32 v14, v19;
	vm1 =	vne.s32 v17, $0xF;
	v18 =	vmul.f32 $1.442695020e+00, v18  }
0xa7: {  	vm2 =	vne.s32 v17, $0xE;
	vm9 =	veq.f32 v16, v19;
	vm11 =	vne.s32 v17, $0xD  }
0xa8: {  	vm12 =	veq.f32 v15, v19;
	vm13 =	vne.s32 v17, $0xC;
	(erf) = vpow2.f32 v18  }
0xa9: {  	vm14 =	veq.f32 v13, v19;
	vm15 =	vne.s32 v17, $0xB;
	vm4 =	veq.f32 v12, v19  }
0xaa: {  	vm5 =	vne.s32 v17, $0xA;
	vm6 =	veq.f32 v11, v19;
	vm7 =	vne.s32 v17, $0x9  }
0xab: {  	vm8 =	veq.f32 v9, v19;
	vm0 =	vmand vm1, vm0;
	vm10 =	vmand vm2, vm9  }
0xac: {  	vm1 =	vmand vm11, vm12;
	vm9 =	vne.s32 v17, $0x8;
	vm11 =	vne.s32 v17, $0x6  }
0xad: {  	vm12 =	vne.s32 v17, $0x7;
	v53 =	vsel vm0, $0xF, v0;
	vm0 =	vmand vm13, vm14  }
0xae: {  	vm13 =	veq.f32 v7, v19;
	vm14 =	veq.f32 v8, v19;
	v14 =	vsel vm10, $0xE, v53  }
0xaf: {  	vm10 =	veq.f32 v10, v19;
	v54 =	vsel vm1, $0xD, v14;
	vm1 =	vmand vm15, vm4  }
0xb0: {  	vm15 =	vne.s32 v17, $0x5;
	vm4 =	veq.f32 v6, v19;
	v55 =	vsel vm0, $0xC, v54  }
0xb1: {  	vm0 =	vmand vm5, vm6;
	vm5 =	vne.s32 v17, $0x4;
	v56 =	vsel vm1, $0xB, v55;
	v58 =	vpop (erf)  }
0xb2: {  	vm1 =	vmand vm7, vm8;
	v57 =	vsel vm0, $0xA, v56;
	v59 =	vadd.f32 $1.000000000e+00, v58  }
0xb3: {  	vm6 =	veq.f32 v5, v19;
	vm0 =	vmand vm9, vm10;
	v9 =	vsel vm1, $0x9, v57  }
0xb4: {  	v9 =	vsel vm0, $0x8, v9;
	vm0 =	vmand vm12, vm13;
	(erf) = vrcp.f32 v59  }
0xb5: {  	vm7 =	vmand vm5, vm6;
	vm1 =	vmand vm11, vm14;
	v60 =	vsel vm0, $0x7, v9  }
0xb6: {  	vm8 =	vne.s32 v17, $0x3;
	vm0 =	vmand vm15, vm4;
	v61 =	vsel vm1, $0x6, v60  }
0xb7: {  	vm9 =	veq.f32 v4, v19;
	vm10 =	vne.s32 v17, $0x2;
	v62 =	vsel vm0, $0x5, v61  }
0xb8: {  	vm11 =	veq.f32 v3, v19;
	vm1 =	vmand vm8, vm9;
	v63 =	vsel vm7, $0x4, v62  }
0xb9: {  	vm0 =	vmand vm10, vm11;
	v3 =	vsel vm1, $0x3, v63  }
0xba: {  	vm12 =	vne.s32 v17, $0x1;
	vm13 =	veq.f32 v2, v19;
	v2 =	vsel vm0, $0x2, v3  }
0xbb: {  	vm14 =	vne.s32 v17, $0x0;
	vm15 =	veq.f32 v1, v19;
	vm1 =	vmand vm12, vm13  }
0xbc: {  	vm0 =	vmand vm14, vm15;
	v1 =	vsel vm1, $0x1, v2  }
0xbd: {  	v1 =	vsel vm0, $0x0, v1;
	v2 =	vpop (erf)  }
0xbe: {  	[tilespmem:s19+$0x0] =	vst v1;
	v1 =	vmul.f32 v2, v58  }
0xbf: {  	[tilespmem:s17+$0x0] =	vst v2  }
0xc0: {  	[tilespmem:s18+$0x0] =	vst v1  }
0xc1: {  	[hbm4b:s4+s2] =	stream.linear.scatter [tilespmem:s12], [sflag:$0x1], $0x100, $0x38;
	[tilespmem:$0x1400] =	vst v63  }
0xc2: {  	_ =	swait.ge [sflag:s11], $0x100  }
0xc3: {  	[sflag:s11] =	ssyncset.done $0x0  }
0xc4: {  	[sflag:s11] =	ssyncadd.s32 $0xFFFFFF00  }
0xc5: {  	[hbm4b:s5+s2] =	stream.linear.scatter [tilespmem:s13], [sflag:$0x1], $0x100, $0x38;
	[tilespmem:$0x1400] =	vst v63  }
0xc6: {  	_ =	swait.ge [sflag:s11], $0x100  }
0xc7: {  	[sflag:s11] =	ssyncset.done $0x0  }
0xc8: {  	[sflag:s11] =	ssyncadd.s32 $0xFFFFFF00  }
0xc9: {  	[hbm4b:s6+s2] =	stream.linear.scatter [tilespmem:s14], [sflag:$0x1], $0x100, $0x38;
	[tilespmem:$0x1400] =	vst v63  }
0xca: {  	s16 =	sadd.s32 $0x1, s16;
	_ =	swait.ge [sflag:s11], $0x100  }
0xcb: {  	p0 =	sne.s32 s16, s8;
	[sflag:s11] =	ssyncset.done $0x0  }
.Ltmp1:
0xcc: {  	[sflag:s11] =	ssyncadd.s32 $0xFFFFFF00;
	(pc) =	sbr.rel @p0 .LBB2_1-.Ltmp1, $4  }
0xcd: {  	[hbm4b:s7+s2] =	stream.linear.scatter [tilespmem:s15], [sflag:$0x1], $0x100, $0x38;
	[tilespmem:$0x1400] =	vst v63  }
0xce: {  	_ =	swait.ge [sflag:s11], $0x100  }
0xcf: {  	[sflag:s11] =	ssyncset.done $0x0  }
0xd0: {  	[sflag:s11] =	ssyncadd.s32 $0xFFFFFF00  }
0xd1: {  	_ =	sfence.sel $0x180000  }
0xd2: {  	[bflag:$0x0] =	sbarrier.arrive $0xFFFF  }
0xd3: {  	p0 =	sne.s32 s0, $0x0;
	_ =	strace $0x90000047  }
0xd4: {  	s0 =	sadd.s32 @!p0 $0x100000, s1;
	[bflag:$0x2] =	sbarrier.arrive $0xFFFF  }
0xd5: {  	[sflag:s0] =	ssyncadd.tile.s32 @!p0 $0x1;
	_ =	shalt  }
.Lfunc_end2:
_tile_overlayer_lowered:
.L_overlay_start_2:
0xd6: {  	(tag) =	ssettag $0x2  }
0xd7: {  	s0 =	rddreg [dreg:$0x0];
	s2 =	stileid.u32  }
0xd8: {  	s1 =	rddreg [dreg:$0x1];
	p0 =	sne.s32 s2, $0x0  }
0xd9: {  	s3 =	rddreg [dreg:$0x2];
	[bflag:$0x3] =	sbarrier.arrive $0xFFFF;
	s2 =	simm.s32 @!p0 $0x1C02  }
0xda: {  	[timem:s3], [sflag:s2] =	dma.local @!p0 [hbm:s0], s1  }
0xdb: {  	s0 =	simm.s32 @!p0 $0x2  }
0xdc: {  	_ =	swait.ge @!p0 [sflag:s0], s1  }
0xdd: {  	s1 =	ssub.s32 @!p0 $0x0, s1;
	[sflag:s0] =	ssyncset.done @!p0 $0x0  }
0xde: {  	[sflag:s0] =	ssyncadd.s32 @!p0 s1  }
0xdf: {  	[bflag:$0x3] =	sbarrier.arrive $0xFFFF  }
0xe0: {  	_ =	shalt  }

</sc_bundles>
